<compile_context>
chip_gen: v7x
topology: tpu7x:2x2x1
jax: 0.10.2.dev20260603
libtpu: 0.0.44.dev20260713+nightly
codegen_flags: <defaults>
</compile_context>

<pallas_src>
import functools

import jax
import jax.numpy as jnp
from jax import lax
from jax.experimental import pallas as pl
from jax.experimental.pallas import tpu as pltpu
from jax.experimental.pallas import tpu_sc as plsc

SEQ = 2048
EMB = 32
ROW_ELEMS = SEQ * EMB
TAB = 2 * SEQ * EMB
TAB2 = (2 * SEQ - 1) * EMB
STRIDE = 1028 * 128
NCOPY = 4
NC = 2
NS = 16
NW = NC * NS
ROWS_PER_W = SEQ // NW
NBUF = 8

_Q_SRC = (0, TAB // 4, TAB // 2 + EMB, 3 * TAB // 4)
_Q_LEN = (TAB // 4, TAB // 4, TAB // 4 - EMB, TAB // 4)
_Q_DST = (0, TAB // 4, TAB // 2, 3 * TAB // 4 - EMB)


def _build():
    mesh = plsc.VectorSubcoreMesh(core_axis_name="c", subcore_axis_name="s")

    @functools.partial(
        pl.kernel,
        mesh=mesh,
        out_type=jax.ShapeDtypeStruct((SEQ * SEQ * EMB,), jnp.float32),
        scratch_types=[
            pltpu.VMEM((TAB // 4,), jnp.float32),
            pltpu.VMEM_SHARED((NCOPY * STRIDE,), jnp.float32),
            pltpu.SemaphoreType.DMA,
        ],
    )
    def k(table_hbm, out_hbm, stage_v, tab_s, sem):
        sid = lax.axis_index("s")
        wid = sid * NC + lax.axis_index("c")
        for idx in range(NS):
            c, q = idx >> 2, idx & 3

            @pl.when(sid == idx)
            def _(c=c, q=q):
                n = _Q_LEN[q]
                pltpu.sync_copy(
                    table_hbm.at[pl.ds(_Q_SRC[q], n)], stage_v.at[pl.ds(0, n)]
                )
                pltpu.sync_copy(
                    stage_v.at[pl.ds(0, n)],
                    tab_s.at[pl.ds(c * STRIDE + EMB * c + _Q_DST[q], n)],
                )

        plsc.subcore_barrier()

        base = wid * ROWS_PER_W

        def body(g, _):
            def fire(b, _):
                row = base + g * NBUF + b
                c = (row + 1) % NCOPY
                q = (SEQ - 1 - row + c) // NCOPY
                start = pl.multiple_of((c * 1028 + q) * 128, 128)
                dst = pl.multiple_of(row * ROW_ELEMS, 128)
                pltpu.async_copy(
                    tab_s.at[pl.ds(start, ROW_ELEMS)],
                    out_hbm.at[pl.ds(dst, ROW_ELEMS)],
                    sem,
                )
                return 0

            lax.fori_loop(0, NBUF, fire, 0)

            def drain(b, _):
                row = base + g * NBUF + b
                dst = pl.multiple_of(row * ROW_ELEMS, 128)
                pltpu.make_async_copy(
                    tab_s.at[pl.ds(0, ROW_ELEMS)],
                    out_hbm.at[pl.ds(dst, ROW_ELEMS)],
                    sem,
                ).wait()
                return 0

            lax.fori_loop(0, NBUF, drain, 0)
            return 0

        lax.fori_loop(0, ROWS_PER_W // NBUF, body, 0)

    return k


_sc_gather = _build()


def kernel(position_embedding, position_encoding):
    del position_encoding
    flat = _sc_gather(position_embedding.reshape(-1))
    return flat.reshape(SEQ, SEQ, EMB)

# --- scband reference (transcript-rebuilt; emitter-appended) ---
"""Pipeline reference for scband-positional-encoding-19207093748103 (READ-ONLY COPY).

The authoritative reference and input builder live on the scoring server;
editing this copy changes nothing except your own understanding.
"""

import jax, jax.numpy as jnp
import numpy as np

SEQ_LEN = 2048
POS_EMB_SIZE = 32


def _toeplitz_positions(seq_len):
    # Reproduces scipy.linalg.toeplitz(position_splt, positions[seq_len:]) where
    # position_splt = list(reversed(range(seq_len))) (first column) and
    # positions[seq_len:] = [seq_len, ..., 2*seq_len-1] (first row).
    # toeplitz(c, r)[i, j] = c[i-j] if i >= j else r[j-i]
    #   i >= j: c[i-j] = seq_len - 1 - (i - j)
    #   j >  i: r[j-i] = seq_len + (j - i)
    i = jnp.arange(seq_len)[:, None]
    j = jnp.arange(seq_len)[None, :]
    d = j - i
    enc = jnp.where(d <= 0, seq_len - 1 + d, seq_len + d)
    return enc.astype(jnp.int32)


def setup_inputs(seed: int = 0) -> dict:
    key = jax.random.key(seed)
    # Trainable embedding table, initialized uniform as in the original module
    position_embedding = jax.random.uniform(
        key, (SEQ_LEN * 2, POS_EMB_SIZE), dtype=jnp.float32
    )
    # Constant toeplitz relative-position index matrix [seq_len, seq_len]
    position_encoding = _toeplitz_positions(SEQ_LEN)
    return {
        "position_embedding": position_embedding,
        "position_encoding": position_encoding,
    }


def reference(position_embedding, position_encoding):
    # tf.nn.embedding_lookup(table, ids) -> gather along axis 0
    # output shape: [seq_len, seq_len, pos_emb_size]
    return jnp.take(position_embedding, position_encoding, axis=0)

if __name__ == "__main__":
    import jax
    _d = setup_inputs()
    print(jax.jit(kernel)(*tuple(_d.values())))

</pallas_src>

<mosaic_0001>
#map = affine_map<(d0, d1) -> (0)>
module attributes {stable_mosaic.version = 14 : i64} {
  func.func @k(%arg0: i32, %arg1: i32, %arg2: memref<131072xf32, #tpu.memory_space<hbm>>, %arg3: memref<134217728xf32, #tpu.memory_space<hbm>>, %arg4: memref<32768xf32, #tpu.memory_space<vmem>>, %arg5: memref<526336xf32, #tpu.memory_space<vmem_shared>>, %arg6: memref<!tpu.dma_semaphore, #tpu.memory_space<semaphore_mem>>) attributes {dimension_semantics = [#tpu.dimension_semantics<core_parallel>, #tpu.dimension_semantics<subcore_parallel>], iteration_bounds = array<i64: 2, 16>, scalar_prefetch = 0 : i64, scratch_operands = 3 : i64, tpu.core_type = #tpu.core_type<sc_vector_subcore>, window_params = [{transform_indices = #map}, {transform_indices = #map}]} {
    %mul3A = arith.constant 2 : i32
    %mul3A_0 = arith.muli %arg1, %mul3A : i32
    %add3A = arith.addi %mul3A_0, %arg0 : i32
    %eq3A = arith.constant 0 : i32
    %eq3A_1 = arith.cmpi eq, %arg1, %eq3A : i32
    %convert_element_type3A = arith.extui %eq3A_1 : i1 to i32
    %cond3A = arith.constant 0 : i32
    %cond3A_2 = arith.cmpi ne, %convert_element_type3A, %cond3A : i32
    scf.if %cond3A_2 {
      "tpu.region"() ({
        %run_scoped3A = tpu.sem_alloc : memref<!tpu.dma_semaphore, #tpu.memory_space<semaphore_mem>>
        %dma_start3A = arith.constant 0 : i32
        %dma_start3A_86 = tpu.memref_slice %arg4[%dma_start3A] : memref<32768xf32, #tpu.memory_space<vmem>> -> memref<32768xf32, #tpu.memory_space<vmem>>
        %dma_start3A_87 = arith.constant 0 : i32
        %dma_start3A_88 = tpu.memref_slice %arg2[%dma_start3A_87] : memref<131072xf32, #tpu.memory_space<hbm>> -> memref<32768xf32, #tpu.memory_space<hbm>>
        %dma_start3A_89 = arith.constant 0 : i32
        %dma_start3A_90 = tpu.memref_slice %arg4[%dma_start3A_89] : memref<32768xf32, #tpu.memory_space<vmem>> -> memref<32768xf32, #tpu.memory_space<vmem>>
        %dma_start3A_91 = arith.constant 0 : i32
        %dma_start3A_92 = tpu.memref_slice %arg2[%dma_start3A_91] : memref<131072xf32, #tpu.memory_space<hbm>> -> memref<32768xf32, #tpu.memory_space<hbm>>
        tpu.enqueue_dma source(%dma_start3A_92 : memref<32768xf32, #tpu.memory_space<hbm>>) target(%dma_start3A_90 : memref<32768xf32, #tpu.memory_space<vmem>>) target_semaphore(%run_scoped3A : memref<!tpu.dma_semaphore, #tpu.memory_space<semaphore_mem>>)
        %dma_wait3A = arith.constant 0 : i32
        %dma_wait3A_93 = tpu.memref_slice %arg4[%dma_wait3A] : memref<32768xf32, #tpu.memory_space<vmem>> -> memref<32768xf32, #tpu.memory_space<vmem>>
        %dma_wait3A_94 = arith.constant 0 : i32
        %dma_wait3A_95 = tpu.memref_slice %arg2[%dma_wait3A_94] : memref<131072xf32, #tpu.memory_space<hbm>> -> memref<32768xf32, #tpu.memory_space<hbm>>
        %dma_wait3A_96 = arith.constant 0 : i32
        %dma_wait3A_97 = tpu.memref_slice %arg4[%dma_wait3A_96] : memref<32768xf32, #tpu.memory_space<vmem>> -> memref<32768xf32, #tpu.memory_space<vmem>>
        %dma_wait3A_98 = arith.constant 0 : i32
        %dma_wait3A_99 = tpu.memref_slice %arg2[%dma_wait3A_98] : memref<131072xf32, #tpu.memory_space<hbm>> -> memref<32768xf32, #tpu.memory_space<hbm>>
        tpu.wait_dma2 semaphore(%run_scoped3A : memref<!tpu.dma_semaphore, #tpu.memory_space<semaphore_mem>>) src(%dma_wait3A_99 : memref<32768xf32, #tpu.memory_space<hbm>>) dst(%dma_wait3A_97 : memref<32768xf32, #tpu.memory_space<vmem>>)
        tpu.yield
      }) : () -> ()
      "tpu.region"() ({
        %run_scoped3A = tpu.sem_alloc : memref<!tpu.dma_semaphore, #tpu.memory_space<semaphore_mem>>
        %dma_start3A = arith.constant 0 : i32
        %dma_start3A_86 = tpu.memref_slice %arg4[%dma_start3A] : memref<32768xf32, #tpu.memory_space<vmem>> -> memref<32768xf32, #tpu.memory_space<vmem>>
        %dma_start3A_87 = arith.constant 0 : i32
        %dma_start3A_88 = tpu.memref_slice %arg5[%dma_start3A_87] : memref<526336xf32, #tpu.memory_space<vmem_shared>> -> memref<32768xf32, #tpu.memory_space<vmem_shared>>
        %dma_start3A_89 = arith.constant 0 : i32
        %dma_start3A_90 = tpu.memref_slice %arg5[%dma_start3A_89] : memref<526336xf32, #tpu.memory_space<vmem_shared>> -> memref<32768xf32, #tpu.memory_space<vmem_shared>>
        %dma_start3A_91 = arith.constant 0 : i32
        %dma_start3A_92 = tpu.memref_slice %arg4[%dma_start3A_91] : memref<32768xf32, #tpu.memory_space<vmem>> -> memref<32768xf32, #tpu.memory_space<vmem>>
        tpu.enqueue_dma source(%dma_start3A_92 : memref<32768xf32, #tpu.memory_space<vmem>>) target(%dma_start3A_90 : memref<32768xf32, #tpu.memory_space<vmem_shared>>) target_semaphore(%run_scoped3A : memref<!tpu.dma_semaphore, #tpu.memory_space<semaphore_mem>>)
        %dma_wait3A = arith.constant 0 : i32
        %dma_wait3A_93 = tpu.memref_slice %arg4[%dma_wait3A] : memref<32768xf32, #tpu.memory_space<vmem>> -> memref<32768xf32, #tpu.memory_space<vmem>>
        %dma_wait3A_94 = arith.constant 0 : i32
        %dma_wait3A_95 = tpu.memref_slice %arg5[%dma_wait3A_94] : memref<526336xf32, #tpu.memory_space<vmem_shared>> -> memref<32768xf32, #tpu.memory_space<vmem_shared>>
        %dma_wait3A_96 = arith.constant 0 : i32
        %dma_wait3A_97 = tpu.memref_slice %arg5[%dma_wait3A_96] : memref<526336xf32, #tpu.memory_space<vmem_shared>> -> memref<32768xf32, #tpu.memory_space<vmem_shared>>
        %dma_wait3A_98 = arith.constant 0 : i32
        %dma_wait3A_99 = tpu.memref_slice %arg4[%dma_wait3A_98] : memref<32768xf32, #tpu.memory_space<vmem>> -> memref<32768xf32, #tpu.memory_space<vmem>>
        tpu.wait_dma2 semaphore(%run_scoped3A : memref<!tpu.dma_semaphore, #tpu.memory_space<semaphore_mem>>) src(%dma_wait3A_99 : memref<32768xf32, #tpu.memory_space<vmem>>) dst(%dma_wait3A_97 : memref<32768xf32, #tpu.memory_space<vmem_shared>>)
        tpu.yield
      }) : () -> ()
    } else {
    }
    %eq3A_3 = arith.constant 1 : i32
    %eq3A_4 = arith.cmpi eq, %arg1, %eq3A_3 : i32
    %convert_element_type3A_5 = arith.extui %eq3A_4 : i1 to i32
    %cond3A_6 = arith.constant 0 : i32
    %cond3A_7 = arith.cmpi ne, %convert_element_type3A_5, %cond3A_6 : i32
    scf.if %cond3A_7 {
      "tpu.region"() ({
        %run_scoped3A = tpu.sem_alloc : memref<!tpu.dma_semaphore, #tpu.memory_space<semaphore_mem>>
        %dma_start3A = arith.constant 0 : i32
        %dma_start3A_86 = tpu.memref_slice %arg4[%dma_start3A] : memref<32768xf32, #tpu.memory_space<vmem>> -> memref<32768xf32, #tpu.memory_space<vmem>>
        %dma_start3A_87 = arith.constant 32768 : i32
        %dma_start3A_88 = tpu.memref_slice %arg2[%dma_start3A_87] : memref<131072xf32, #tpu.memory_space<hbm>> -> memref<32768xf32, #tpu.memory_space<hbm>>
        %dma_start3A_89 = arith.constant 0 : i32
        %dma_start3A_90 = tpu.memref_slice %arg4[%dma_start3A_89] : memref<32768xf32, #tpu.memory_space<vmem>> -> memref<32768xf32, #tpu.memory_space<vmem>>
        %dma_start3A_91 = arith.constant 32768 : i32
        %dma_start3A_92 = tpu.memref_slice %arg2[%dma_start3A_91] : memref<131072xf32, #tpu.memory_space<hbm>> -> memref<32768xf32, #tpu.memory_space<hbm>>
        tpu.enqueue_dma source(%dma_start3A_92 : memref<32768xf32, #tpu.memory_space<hbm>>) target(%dma_start3A_90 : memref<32768xf32, #tpu.memory_space<vmem>>) target_semaphore(%run_scoped3A : memref<!tpu.dma_semaphore, #tpu.memory_space<semaphore_mem>>)
        %dma_wait3A = arith.constant 0 : i32
        %dma_wait3A_93 = tpu.memref_slice %arg4[%dma_wait3A] : memref<32768xf32, #tpu.memory_space<vmem>> -> memref<32768xf32, #tpu.memory_space<vmem>>
        %dma_wait3A_94 = arith.constant 32768 : i32
        %dma_wait3A_95 = tpu.memref_slice %arg2[%dma_wait3A_94] : memref<131072xf32, #tpu.memory_space<hbm>> -> memref<32768xf32, #tpu.memory_space<hbm>>
        %dma_wait3A_96 = arith.constant 0 : i32
        %dma_wait3A_97 = tpu.memref_slice %arg4[%dma_wait3A_96] : memref<32768xf32, #tpu.memory_space<vmem>> -> memref<32768xf32, #tpu.memory_space<vmem>>
        %dma_wait3A_98 = arith.constant 32768 : i32
        %dma_wait3A_99 = tpu.memref_slice %arg2[%dma_wait3A_98] : memref<131072xf32, #tpu.memory_space<hbm>> -> memref<32768xf32, #tpu.memory_space<hbm>>
        tpu.wait_dma2 semaphore(%run_scoped3A : memref<!tpu.dma_semaphore, #tpu.memory_space<semaphore_mem>>) src(%dma_wait3A_99 : memref<32768xf32, #tpu.memory_space<hbm>>) dst(%dma_wait3A_97 : memref<32768xf32, #tpu.memory_space<vmem>>)
        tpu.yield
      }) : () -> ()
      "tpu.region"() ({
        %run_scoped3A = tpu.sem_alloc : memref<!tpu.dma_semaphore, #tpu.memory_space<semaphore_mem>>
        %dma_start3A = arith.constant 0 : i32
        %dma_start3A_86 = tpu.memref_slice %arg4[%dma_start3A] : memref<32768xf32, #tpu.memory_space<vmem>> -> memref<32768xf32, #tpu.memory_space<vmem>>
        %dma_start3A_87 = arith.constant 32768 : i32
        %dma_start3A_88 = tpu.memref_slice %arg5[%dma_start3A_87] : memref<526336xf32, #tpu.memory_space<vmem_shared>> -> memref<32768xf32, #tpu.memory_space<vmem_shared>>
        %dma_start3A_89 = arith.constant 32768 : i32
        %dma_start3A_90 = tpu.memref_slice %arg5[%dma_start3A_89] : memref<526336xf32, #tpu.memory_space<vmem_shared>> -> memref<32768xf32, #tpu.memory_space<vmem_shared>>
        %dma_start3A_91 = arith.constant 0 : i32
        %dma_start3A_92 = tpu.memref_slice %arg4[%dma_start3A_91] : memref<32768xf32, #tpu.memory_space<vmem>> -> memref<32768xf32, #tpu.memory_space<vmem>>
        tpu.enqueue_dma source(%dma_start3A_92 : memref<32768xf32, #tpu.memory_space<vmem>>) target(%dma_start3A_90 : memref<32768xf32, #tpu.memory_space<vmem_shared>>) target_semaphore(%run_scoped3A : memref<!tpu.dma_semaphore, #tpu.memory_space<semaphore_mem>>)
        %dma_wait3A = arith.constant 0 : i32
        %dma_wait3A_93 = tpu.memref_slice %arg4[%dma_wait3A] : memref<32768xf32, #tpu.memory_space<vmem>> -> memref<32768xf32, #tpu.memory_space<vmem>>
        %dma_wait3A_94 = arith.constant 32768 : i32
        %dma_wait3A_95 = tpu.memref_slice %arg5[%dma_wait3A_94] : memref<526336xf32, #tpu.memory_space<vmem_shared>> -> memref<32768xf32, #tpu.memory_space<vmem_shared>>
        %dma_wait3A_96 = arith.constant 32768 : i32
        %dma_wait3A_97 = tpu.memref_slice %arg5[%dma_wait3A_96] : memref<526336xf32, #tpu.memory_space<vmem_shared>> -> memref<32768xf32, #tpu.memory_space<vmem_shared>>
        %dma_wait3A_98 = arith.constant 0 : i32
        %dma_wait3A_99 = tpu.memref_slice %arg4[%dma_wait3A_98] : memref<32768xf32, #tpu.memory_space<vmem>> -> memref<32768xf32, #tpu.memory_space<vmem>>
        tpu.wait_dma2 semaphore(%run_scoped3A : memref<!tpu.dma_semaphore, #tpu.memory_space<semaphore_mem>>) src(%dma_wait3A_99 : memref<32768xf32, #tpu.memory_space<vmem>>) dst(%dma_wait3A_97 : memref<32768xf32, #tpu.memory_space<vmem_shared>>)
        tpu.yield
      }) : () -> ()
    } else {
    }
    %eq3A_8 = arith.constant 2 : i32
    %eq3A_9 = arith.cmpi eq, %arg1, %eq3A_8 : i32
    %convert_element_type3A_10 = arith.extui %eq3A_9 : i1 to i32
    %cond3A_11 = arith.constant 0 : i32
    %cond3A_12 = arith.cmpi ne, %convert_element_type3A_10, %cond3A_11 : i32
    scf.if %cond3A_12 {
      "tpu.region"() ({
        %run_scoped3A = tpu.sem_alloc : memref<!tpu.dma_semaphore, #tpu.memory_space<semaphore_mem>>
        %dma_start3A = arith.constant 0 : i32
        %dma_start3A_86 = tpu.memref_slice %arg4[%dma_start3A] : memref<32768xf32, #tpu.memory_space<vmem>> -> memref<32736xf32, #tpu.memory_space<vmem>>
        %dma_start3A_87 = arith.constant 65568 : i32
        %dma_start3A_88 = tpu.memref_slice %arg2[%dma_start3A_87] : memref<131072xf32, #tpu.memory_space<hbm>> -> memref<32736xf32, #tpu.memory_space<hbm>>
        %dma_start3A_89 = arith.constant 0 : i32
        %dma_start3A_90 = tpu.memref_slice %arg4[%dma_start3A_89] : memref<32768xf32, #tpu.memory_space<vmem>> -> memref<32736xf32, #tpu.memory_space<vmem>>
        %dma_start3A_91 = arith.constant 65568 : i32
        %dma_start3A_92 = tpu.memref_slice %arg2[%dma_start3A_91] : memref<131072xf32, #tpu.memory_space<hbm>> -> memref<32736xf32, #tpu.memory_space<hbm>>
        tpu.enqueue_dma source(%dma_start3A_92 : memref<32736xf32, #tpu.memory_space<hbm>>) target(%dma_start3A_90 : memref<32736xf32, #tpu.memory_space<vmem>>) target_semaphore(%run_scoped3A : memref<!tpu.dma_semaphore, #tpu.memory_space<semaphore_mem>>)
        %dma_wait3A = arith.constant 0 : i32
        %dma_wait3A_93 = tpu.memref_slice %arg4[%dma_wait3A] : memref<32768xf32, #tpu.memory_space<vmem>> -> memref<32736xf32, #tpu.memory_space<vmem>>
        %dma_wait3A_94 = arith.constant 65568 : i32
        %dma_wait3A_95 = tpu.memref_slice %arg2[%dma_wait3A_94] : memref<131072xf32, #tpu.memory_space<hbm>> -> memref<32736xf32, #tpu.memory_space<hbm>>
        %dma_wait3A_96 = arith.constant 0 : i32
        %dma_wait3A_97 = tpu.memref_slice %arg4[%dma_wait3A_96] : memref<32768xf32, #tpu.memory_space<vmem>> -> memref<32736xf32, #tpu.memory_space<vmem>>
        %dma_wait3A_98 = arith.constant 65568 : i32
        %dma_wait3A_99 = tpu.memref_slice %arg2[%dma_wait3A_98] : memref<131072xf32, #tpu.memory_space<hbm>> -> memref<32736xf32, #tpu.memory_space<hbm>>
        tpu.wait_dma2 semaphore(%run_scoped3A : memref<!tpu.dma_semaphore, #tpu.memory_space<semaphore_mem>>) src(%dma_wait3A_99 : memref<32736xf32, #tpu.memory_space<hbm>>) dst(%dma_wait3A_97 : memref<32736xf32, #tpu.memory_space<vmem>>)
        tpu.yield
      }) : () -> ()
      "tpu.region"() ({
        %run_scoped3A = tpu.sem_alloc : memref<!tpu.dma_semaphore, #tpu.memory_space<semaphore_mem>>
        %dma_start3A = arith.constant 0 : i32
        %dma_start3A_86 = tpu.memref_slice %arg4[%dma_start3A] : memref<32768xf32, #tpu.memory_space<vmem>> -> memref<32736xf32, #tpu.memory_space<vmem>>
        %dma_start3A_87 = arith.constant 65536 : i32
        %dma_start3A_88 = tpu.memref_slice %arg5[%dma_start3A_87] : memref<526336xf32, #tpu.memory_space<vmem_shared>> -> memref<32736xf32, #tpu.memory_space<vmem_shared>>
        %dma_start3A_89 = arith.constant 65536 : i32
        %dma_start3A_90 = tpu.memref_slice %arg5[%dma_start3A_89] : memref<526336xf32, #tpu.memory_space<vmem_shared>> -> memref<32736xf32, #tpu.memory_space<vmem_shared>>
        %dma_start3A_91 = arith.constant 0 : i32
        %dma_start3A_92 = tpu.memref_slice %arg4[%dma_start3A_91] : memref<32768xf32, #tpu.memory_space<vmem>> -> memref<32736xf32, #tpu.memory_space<vmem>>
        tpu.enqueue_dma source(%dma_start3A_92 : memref<32736xf32, #tpu.memory_space<vmem>>) target(%dma_start3A_90 : memref<32736xf32, #tpu.memory_space<vmem_shared>>) target_semaphore(%run_scoped3A : memref<!tpu.dma_semaphore, #tpu.memory_space<semaphore_mem>>)
        %dma_wait3A = arith.constant 0 : i32
        %dma_wait3A_93 = tpu.memref_slice %arg4[%dma_wait3A] : memref<32768xf32, #tpu.memory_space<vmem>> -> memref<32736xf32, #tpu.memory_space<vmem>>
        %dma_wait3A_94 = arith.constant 65536 : i32
        %dma_wait3A_95 = tpu.memref_slice %arg5[%dma_wait3A_94] : memref<526336xf32, #tpu.memory_space<vmem_shared>> -> memref<32736xf32, #tpu.memory_space<vmem_shared>>
        %dma_wait3A_96 = arith.constant 65536 : i32
        %dma_wait3A_97 = tpu.memref_slice %arg5[%dma_wait3A_96] : memref<526336xf32, #tpu.memory_space<vmem_shared>> -> memref<32736xf32, #tpu.memory_space<vmem_shared>>
        %dma_wait3A_98 = arith.constant 0 : i32
        %dma_wait3A_99 = tpu.memref_slice %arg4[%dma_wait3A_98] : memref<32768xf32, #tpu.memory_space<vmem>> -> memref<32736xf32, #tpu.memory_space<vmem>>
        tpu.wait_dma2 semaphore(%run_scoped3A : memref<!tpu.dma_semaphore, #tpu.memory_space<semaphore_mem>>) src(%dma_wait3A_99 : memref<32736xf32, #tpu.memory_space<vmem>>) dst(%dma_wait3A_97 : memref<32736xf32, #tpu.memory_space<vmem_shared>>)
        tpu.yield
      }) : () -> ()
    } else {
    }
    %eq3A_13 = arith.constant 3 : i32
    %eq3A_14 = arith.cmpi eq, %arg1, %eq3A_13 : i32
    %convert_element_type3A_15 = arith.extui %eq3A_14 : i1 to i32
    %cond3A_16 = arith.constant 0 : i32
    %cond3A_17 = arith.cmpi ne, %convert_element_type3A_15, %cond3A_16 : i32
    scf.if %cond3A_17 {
      "tpu.region"() ({
        %run_scoped3A = tpu.sem_alloc : memref<!tpu.dma_semaphore, #tpu.memory_space<semaphore_mem>>
        %dma_start3A = arith.constant 0 : i32
        %dma_start3A_86 = tpu.memref_slice %arg4[%dma_start3A] : memref<32768xf32, #tpu.memory_space<vmem>> -> memref<32768xf32, #tpu.memory_space<vmem>>
        %dma_start3A_87 = arith.constant 98304 : i32
        %dma_start3A_88 = tpu.memref_slice %arg2[%dma_start3A_87] : memref<131072xf32, #tpu.memory_space<hbm>> -> memref<32768xf32, #tpu.memory_space<hbm>>
        %dma_start3A_89 = arith.constant 0 : i32
        %dma_start3A_90 = tpu.memref_slice %arg4[%dma_start3A_89] : memref<32768xf32, #tpu.memory_space<vmem>> -> memref<32768xf32, #tpu.memory_space<vmem>>
        %dma_start3A_91 = arith.constant 98304 : i32
        %dma_start3A_92 = tpu.memref_slice %arg2[%dma_start3A_91] : memref<131072xf32, #tpu.memory_space<hbm>> -> memref<32768xf32, #tpu.memory_space<hbm>>
        tpu.enqueue_dma source(%dma_start3A_92 : memref<32768xf32, #tpu.memory_space<hbm>>) target(%dma_start3A_90 : memref<32768xf32, #tpu.memory_space<vmem>>) target_semaphore(%run_scoped3A : memref<!tpu.dma_semaphore, #tpu.memory_space<semaphore_mem>>)
        %dma_wait3A = arith.constant 0 : i32
        %dma_wait3A_93 = tpu.memref_slice %arg4[%dma_wait3A] : memref<32768xf32, #tpu.memory_space<vmem>> -> memref<32768xf32, #tpu.memory_space<vmem>>
        %dma_wait3A_94 = arith.constant 98304 : i32
        %dma_wait3A_95 = tpu.memref_slice %arg2[%dma_wait3A_94] : memref<131072xf32, #tpu.memory_space<hbm>> -> memref<32768xf32, #tpu.memory_space<hbm>>
        %dma_wait3A_96 = arith.constant 0 : i32
        %dma_wait3A_97 = tpu.memref_slice %arg4[%dma_wait3A_96] : memref<32768xf32, #tpu.memory_space<vmem>> -> memref<32768xf32, #tpu.memory_space<vmem>>
        %dma_wait3A_98 = arith.constant 98304 : i32
        %dma_wait3A_99 = tpu.memref_slice %arg2[%dma_wait3A_98] : memref<131072xf32, #tpu.memory_space<hbm>> -> memref<32768xf32, #tpu.memory_space<hbm>>
        tpu.wait_dma2 semaphore(%run_scoped3A : memref<!tpu.dma_semaphore, #tpu.memory_space<semaphore_mem>>) src(%dma_wait3A_99 : memref<32768xf32, #tpu.memory_space<hbm>>) dst(%dma_wait3A_97 : memref<32768xf32, #tpu.memory_space<vmem>>)
        tpu.yield
      }) : () -> ()
      "tpu.region"() ({
        %run_scoped3A = tpu.sem_alloc : memref<!tpu.dma_semaphore, #tpu.memory_space<semaphore_mem>>
        %dma_start3A = arith.constant 0 : i32
        %dma_start3A_86 = tpu.memref_slice %arg4[%dma_start3A] : memref<32768xf32, #tpu.memory_space<vmem>> -> memref<32768xf32, #tpu.memory_space<vmem>>
        %dma_start3A_87 = arith.constant 98272 : i32
        %dma_start3A_88 = tpu.memref_slice %arg5[%dma_start3A_87] : memref<526336xf32, #tpu.memory_space<vmem_shared>> -> memref<32768xf32, #tpu.memory_space<vmem_shared>>
        %dma_start3A_89 = arith.constant 98272 : i32
        %dma_start3A_90 = tpu.memref_slice %arg5[%dma_start3A_89] : memref<526336xf32, #tpu.memory_space<vmem_shared>> -> memref<32768xf32, #tpu.memory_space<vmem_shared>>
        %dma_start3A_91 = arith.constant 0 : i32
        %dma_start3A_92 = tpu.memref_slice %arg4[%dma_start3A_91] : memref<32768xf32, #tpu.memory_space<vmem>> -> memref<32768xf32, #tpu.memory_space<vmem>>
        tpu.enqueue_dma source(%dma_start3A_92 : memref<32768xf32, #tpu.memory_space<vmem>>) target(%dma_start3A_90 : memref<32768xf32, #tpu.memory_space<vmem_shared>>) target_semaphore(%run_scoped3A : memref<!tpu.dma_semaphore, #tpu.memory_space<semaphore_mem>>)
        %dma_wait3A = arith.constant 0 : i32
        %dma_wait3A_93 = tpu.memref_slice %arg4[%dma_wait3A] : memref<32768xf32, #tpu.memory_space<vmem>> -> memref<32768xf32, #tpu.memory_space<vmem>>
        %dma_wait3A_94 = arith.constant 98272 : i32
        %dma_wait3A_95 = tpu.memref_slice %arg5[%dma_wait3A_94] : memref<526336xf32, #tpu.memory_space<vmem_shared>> -> memref<32768xf32, #tpu.memory_space<vmem_shared>>
        %dma_wait3A_96 = arith.constant 98272 : i32
        %dma_wait3A_97 = tpu.memref_slice %arg5[%dma_wait3A_96] : memref<526336xf32, #tpu.memory_space<vmem_shared>> -> memref<32768xf32, #tpu.memory_space<vmem_shared>>
        %dma_wait3A_98 = arith.constant 0 : i32
        %dma_wait3A_99 = tpu.memref_slice %arg4[%dma_wait3A_98] : memref<32768xf32, #tpu.memory_space<vmem>> -> memref<32768xf32, #tpu.memory_space<vmem>>
        tpu.wait_dma2 semaphore(%run_scoped3A : memref<!tpu.dma_semaphore, #tpu.memory_space<semaphore_mem>>) src(%dma_wait3A_99 : memref<32768xf32, #tpu.memory_space<vmem>>) dst(%dma_wait3A_97 : memref<32768xf32, #tpu.memory_space<vmem_shared>>)
        tpu.yield
      }) : () -> ()
    } else {
    }
    %eq3A_18 = arith.constant 4 : i32
    %eq3A_19 = arith.cmpi eq, %arg1, %eq3A_18 : i32
    %convert_element_type3A_20 = arith.extui %eq3A_19 : i1 to i32
    %cond3A_21 = arith.constant 0 : i32
    %cond3A_22 = arith.cmpi ne, %convert_element_type3A_20, %cond3A_21 : i32
    scf.if %cond3A_22 {
      "tpu.region"() ({
        %run_scoped3A = tpu.sem_alloc : memref<!tpu.dma_semaphore, #tpu.memory_space<semaphore_mem>>
        %dma_start3A = arith.constant 0 : i32
        %dma_start3A_86 = tpu.memref_slice %arg4[%dma_start3A] : memref<32768xf32, #tpu.memory_space<vmem>> -> memref<32768xf32, #tpu.memory_space<vmem>>
        %dma_start3A_87 = arith.constant 0 : i32
        %dma_start3A_88 = tpu.memref_slice %arg2[%dma_start3A_87] : memref<131072xf32, #tpu.memory_space<hbm>> -> memref<32768xf32, #tpu.memory_space<hbm>>
        %dma_start3A_89 = arith.constant 0 : i32
        %dma_start3A_90 = tpu.memref_slice %arg4[%dma_start3A_89] : memref<32768xf32, #tpu.memory_space<vmem>> -> memref<32768xf32, #tpu.memory_space<vmem>>
        %dma_start3A_91 = arith.constant 0 : i32
        %dma_start3A_92 = tpu.memref_slice %arg2[%dma_start3A_91] : memref<131072xf32, #tpu.memory_space<hbm>> -> memref<32768xf32, #tpu.memory_space<hbm>>
        tpu.enqueue_dma source(%dma_start3A_92 : memref<32768xf32, #tpu.memory_space<hbm>>) target(%dma_start3A_90 : memref<32768xf32, #tpu.memory_space<vmem>>) target_semaphore(%run_scoped3A : memref<!tpu.dma_semaphore, #tpu.memory_space<semaphore_mem>>)
        %dma_wait3A = arith.constant 0 : i32
        %dma_wait3A_93 = tpu.memref_slice %arg4[%dma_wait3A] : memref<32768xf32, #tpu.memory_space<vmem>> -> memref<32768xf32, #tpu.memory_space<vmem>>
        %dma_wait3A_94 = arith.constant 0 : i32
        %dma_wait3A_95 = tpu.memref_slice %arg2[%dma_wait3A_94] : memref<131072xf32, #tpu.memory_space<hbm>> -> memref<32768xf32, #tpu.memory_space<hbm>>
        %dma_wait3A_96 = arith.constant 0 : i32
        %dma_wait3A_97 = tpu.memref_slice %arg4[%dma_wait3A_96] : memref<32768xf32, #tpu.memory_space<vmem>> -> memref<32768xf32, #tpu.memory_space<vmem>>
        %dma_wait3A_98 = arith.constant 0 : i32
        %dma_wait3A_99 = tpu.memref_slice %arg2[%dma_wait3A_98] : memref<131072xf32, #tpu.memory_space<hbm>> -> memref<32768xf32, #tpu.memory_space<hbm>>
        tpu.wait_dma2 semaphore(%run_scoped3A : memref<!tpu.dma_semaphore, #tpu.memory_space<semaphore_mem>>) src(%dma_wait3A_99 : memref<32768xf32, #tpu.memory_space<hbm>>) dst(%dma_wait3A_97 : memref<32768xf32, #tpu.memory_space<vmem>>)
        tpu.yield
      }) : () -> ()
      "tpu.region"() ({
        %run_scoped3A = tpu.sem_alloc : memref<!tpu.dma_semaphore, #tpu.memory_space<semaphore_mem>>
        %dma_start3A = arith.constant 0 : i32
        %dma_start3A_86 = tpu.memref_slice %arg4[%dma_start3A] : memref<32768xf32, #tpu.memory_space<vmem>> -> memref<32768xf32, #tpu.memory_space<vmem>>
        %dma_start3A_87 = arith.constant 131616 : i32
        %dma_start3A_88 = tpu.memref_slice %arg5[%dma_start3A_87] : memref<526336xf32, #tpu.memory_space<vmem_shared>> -> memref<32768xf32, #tpu.memory_space<vmem_shared>>
        %dma_start3A_89 = arith.constant 131616 : i32
        %dma_start3A_90 = tpu.memref_slice %arg5[%dma_start3A_89] : memref<526336xf32, #tpu.memory_space<vmem_shared>> -> memref<32768xf32, #tpu.memory_space<vmem_shared>>
        %dma_start3A_91 = arith.constant 0 : i32
        %dma_start3A_92 = tpu.memref_slice %arg4[%dma_start3A_91] : memref<32768xf32, #tpu.memory_space<vmem>> -> memref<32768xf32, #tpu.memory_space<vmem>>
        tpu.enqueue_dma source(%dma_start3A_92 : memref<32768xf32, #tpu.memory_space<vmem>>) target(%dma_start3A_90 : memref<32768xf32, #tpu.memory_space<vmem_shared>>) target_semaphore(%run_scoped3A : memref<!tpu.dma_semaphore, #tpu.memory_space<semaphore_mem>>)
        %dma_wait3A = arith.constant 0 : i32
        %dma_wait3A_93 = tpu.memref_slice %arg4[%dma_wait3A] : memref<32768xf32, #tpu.memory_space<vmem>> -> memref<32768xf32, #tpu.memory_space<vmem>>
        %dma_wait3A_94 = arith.constant 131616 : i32
        %dma_wait3A_95 = tpu.memref_slice %arg5[%dma_wait3A_94] : memref<526336xf32, #tpu.memory_space<vmem_shared>> -> memref<32768xf32, #tpu.memory_space<vmem_shared>>
        %dma_wait3A_96 = arith.constant 131616 : i32
        %dma_wait3A_97 = tpu.memref_slice %arg5[%dma_wait3A_96] : memref<526336xf32, #tpu.memory_space<vmem_shared>> -> memref<32768xf32, #tpu.memory_space<vmem_shared>>
        %dma_wait3A_98 = arith.constant 0 : i32
        %dma_wait3A_99 = tpu.memref_slice %arg4[%dma_wait3A_98] : memref<32768xf32, #tpu.memory_space<vmem>> -> memref<32768xf32, #tpu.memory_space<vmem>>
        tpu.wait_dma2 semaphore(%run_scoped3A : memref<!tpu.dma_semaphore, #tpu.memory_space<semaphore_mem>>) src(%dma_wait3A_99 : memref<32768xf32, #tpu.memory_space<vmem>>) dst(%dma_wait3A_97 : memref<32768xf32, #tpu.memory_space<vmem_shared>>)
        tpu.yield
      }) : () -> ()
    } else {
    }
    %eq3A_23 = arith.constant 5 : i32
    %eq3A_24 = arith.cmpi eq, %arg1, %eq3A_23 : i32
    %convert_element_type3A_25 = arith.extui %eq3A_24 : i1 to i32
    %cond3A_26 = arith.constant 0 : i32
    %cond3A_27 = arith.cmpi ne, %convert_element_type3A_25, %cond3A_26 : i32
    scf.if %cond3A_27 {
      "tpu.region"() ({
        %run_scoped3A = tpu.sem_alloc : memref<!tpu.dma_semaphore, #tpu.memory_space<semaphore_mem>>
        %dma_start3A = arith.constant 0 : i32
        %dma_start3A_86 = tpu.memref_slice %arg4[%dma_start3A] : memref<32768xf32, #tpu.memory_space<vmem>> -> memref<32768xf32, #tpu.memory_space<vmem>>
        %dma_start3A_87 = arith.constant 32768 : i32
        %dma_start3A_88 = tpu.memref_slice %arg2[%dma_start3A_87] : memref<131072xf32, #tpu.memory_space<hbm>> -> memref<32768xf32, #tpu.memory_space<hbm>>
        %dma_start3A_89 = arith.constant 0 : i32
        %dma_start3A_90 = tpu.memref_slice %arg4[%dma_start3A_89] : memref<32768xf32, #tpu.memory_space<vmem>> -> memref<32768xf32, #tpu.memory_space<vmem>>
        %dma_start3A_91 = arith.constant 32768 : i32
        %dma_start3A_92 = tpu.memref_slice %arg2[%dma_start3A_91] : memref<131072xf32, #tpu.memory_space<hbm>> -> memref<32768xf32, #tpu.memory_space<hbm>>
        tpu.enqueue_dma source(%dma_start3A_92 : memref<32768xf32, #tpu.memory_space<hbm>>) target(%dma_start3A_90 : memref<32768xf32, #tpu.memory_space<vmem>>) target_semaphore(%run_scoped3A : memref<!tpu.dma_semaphore, #tpu.memory_space<semaphore_mem>>)
        %dma_wait3A = arith.constant 0 : i32
        %dma_wait3A_93 = tpu.memref_slice %arg4[%dma_wait3A] : memref<32768xf32, #tpu.memory_space<vmem>> -> memref<32768xf32, #tpu.memory_space<vmem>>
        %dma_wait3A_94 = arith.constant 32768 : i32
        %dma_wait3A_95 = tpu.memref_slice %arg2[%dma_wait3A_94] : memref<131072xf32, #tpu.memory_space<hbm>> -> memref<32768xf32, #tpu.memory_space<hbm>>
        %dma_wait3A_96 = arith.constant 0 : i32
        %dma_wait3A_97 = tpu.memref_slice %arg4[%dma_wait3A_96] : memref<32768xf32, #tpu.memory_space<vmem>> -> memref<32768xf32, #tpu.memory_space<vmem>>
        %dma_wait3A_98 = arith.constant 32768 : i32
        %dma_wait3A_99 = tpu.memref_slice %arg2[%dma_wait3A_98] : memref<131072xf32, #tpu.memory_space<hbm>> -> memref<32768xf32, #tpu.memory_space<hbm>>
        tpu.wait_dma2 semaphore(%run_scoped3A : memref<!tpu.dma_semaphore, #tpu.memory_space<semaphore_mem>>) src(%dma_wait3A_99 : memref<32768xf32, #tpu.memory_space<hbm>>) dst(%dma_wait3A_97 : memref<32768xf32, #tpu.memory_space<vmem>>)
        tpu.yield
      }) : () -> ()
      "tpu.region"() ({
        %run_scoped3A = tpu.sem_alloc : memref<!tpu.dma_semaphore, #tpu.memory_space<semaphore_mem>>
        %dma_start3A = arith.constant 0 : i32
        %dma_start3A_86 = tpu.memref_slice %arg4[%dma_start3A] : memref<32768xf32, #tpu.memory_space<vmem>> -> memref<32768xf32, #tpu.memory_space<vmem>>
        %dma_start3A_87 = arith.constant 164384 : i32
        %dma_start3A_88 = tpu.memref_slice %arg5[%dma_start3A_87] : memref<526336xf32, #tpu.memory_space<vmem_shared>> -> memref<32768xf32, #tpu.memory_space<vmem_shared>>
        %dma_start3A_89 = arith.constant 164384 : i32
        %dma_start3A_90 = tpu.memref_slice %arg5[%dma_start3A_89] : memref<526336xf32, #tpu.memory_space<vmem_shared>> -> memref<32768xf32, #tpu.memory_space<vmem_shared>>
        %dma_start3A_91 = arith.constant 0 : i32
        %dma_start3A_92 = tpu.memref_slice %arg4[%dma_start3A_91] : memref<32768xf32, #tpu.memory_space<vmem>> -> memref<32768xf32, #tpu.memory_space<vmem>>
        tpu.enqueue_dma source(%dma_start3A_92 : memref<32768xf32, #tpu.memory_space<vmem>>) target(%dma_start3A_90 : memref<32768xf32, #tpu.memory_space<vmem_shared>>) target_semaphore(%run_scoped3A : memref<!tpu.dma_semaphore, #tpu.memory_space<semaphore_mem>>)
        %dma_wait3A = arith.constant 0 : i32
        %dma_wait3A_93 = tpu.memref_slice %arg4[%dma_wait3A] : memref<32768xf32, #tpu.memory_space<vmem>> -> memref<32768xf32, #tpu.memory_space<vmem>>
        %dma_wait3A_94 = arith.constant 164384 : i32
        %dma_wait3A_95 = tpu.memref_slice %arg5[%dma_wait3A_94] : memref<526336xf32, #tpu.memory_space<vmem_shared>> -> memref<32768xf32, #tpu.memory_space<vmem_shared>>
        %dma_wait3A_96 = arith.constant 164384 : i32
        %dma_wait3A_97 = tpu.memref_slice %arg5[%dma_wait3A_96] : memref<526336xf32, #tpu.memory_space<vmem_shared>> -> memref<32768xf32, #tpu.memory_space<vmem_shared>>
        %dma_wait3A_98 = arith.constant 0 : i32
        %dma_wait3A_99 = tpu.memref_slice %arg4[%dma_wait3A_98] : memref<32768xf32, #tpu.memory_space<vmem>> -> memref<32768xf32, #tpu.memory_space<vmem>>
        tpu.wait_dma2 semaphore(%run_scoped3A : memref<!tpu.dma_semaphore, #tpu.memory_space<semaphore_mem>>) src(%dma_wait3A_99 : memref<32768xf32, #tpu.memory_space<vmem>>) dst(%dma_wait3A_97 : memref<32768xf32, #tpu.memory_space<vmem_shared>>)
        tpu.yield
      }) : () -> ()
    } else {
    }
    %eq3A_28 = arith.constant 6 : i32
    %eq3A_29 = arith.cmpi eq, %arg1, %eq3A_28 : i32
    %convert_element_type3A_30 = arith.extui %eq3A_29 : i1 to i32
    %cond3A_31 = arith.constant 0 : i32
    %cond3A_32 = arith.cmpi ne, %convert_element_type3A_30, %cond3A_31 : i32
    scf.if %cond3A_32 {
      "tpu.region"() ({
        %run_scoped3A = tpu.sem_alloc : memref<!tpu.dma_semaphore, #tpu.memory_space<semaphore_mem>>
        %dma_start3A = arith.constant 0 : i32
        %dma_start3A_86 = tpu.memref_slice %arg4[%dma_start3A] : memref<32768xf32, #tpu.memory_space<vmem>> -> memref<32736xf32, #tpu.memory_space<vmem>>
        %dma_start3A_87 = arith.constant 65568 : i32
        %dma_start3A_88 = tpu.memref_slice %arg2[%dma_start3A_87] : memref<131072xf32, #tpu.memory_space<hbm>> -> memref<32736xf32, #tpu.memory_space<hbm>>
        %dma_start3A_89 = arith.constant 0 : i32
        %dma_start3A_90 = tpu.memref_slice %arg4[%dma_start3A_89] : memref<32768xf32, #tpu.memory_space<vmem>> -> memref<32736xf32, #tpu.memory_space<vmem>>
        %dma_start3A_91 = arith.constant 65568 : i32
        %dma_start3A_92 = tpu.memref_slice %arg2[%dma_start3A_91] : memref<131072xf32, #tpu.memory_space<hbm>> -> memref<32736xf32, #tpu.memory_space<hbm>>
        tpu.enqueue_dma source(%dma_start3A_92 : memref<32736xf32, #tpu.memory_space<hbm>>) target(%dma_start3A_90 : memref<32736xf32, #tpu.memory_space<vmem>>) target_semaphore(%run_scoped3A : memref<!tpu.dma_semaphore, #tpu.memory_space<semaphore_mem>>)
        %dma_wait3A = arith.constant 0 : i32
        %dma_wait3A_93 = tpu.memref_slice %arg4[%dma_wait3A] : memref<32768xf32, #tpu.memory_space<vmem>> -> memref<32736xf32, #tpu.memory_space<vmem>>
        %dma_wait3A_94 = arith.constant 65568 : i32
        %dma_wait3A_95 = tpu.memref_slice %arg2[%dma_wait3A_94] : memref<131072xf32, #tpu.memory_space<hbm>> -> memref<32736xf32, #tpu.memory_space<hbm>>
        %dma_wait3A_96 = arith.constant 0 : i32
        %dma_wait3A_97 = tpu.memref_slice %arg4[%dma_wait3A_96] : memref<32768xf32, #tpu.memory_space<vmem>> -> memref<32736xf32, #tpu.memory_space<vmem>>
        %dma_wait3A_98 = arith.constant 65568 : i32
        %dma_wait3A_99 = tpu.memref_slice %arg2[%dma_wait3A_98] : memref<131072xf32, #tpu.memory_space<hbm>> -> memref<32736xf32, #tpu.memory_space<hbm>>
        tpu.wait_dma2 semaphore(%run_scoped3A : memref<!tpu.dma_semaphore, #tpu.memory_space<semaphore_mem>>) src(%dma_wait3A_99 : memref<32736xf32, #tpu.memory_space<hbm>>) dst(%dma_wait3A_97 : memref<32736xf32, #tpu.memory_space<vmem>>)
        tpu.yield
      }) : () -> ()
      "tpu.region"() ({
        %run_scoped3A = tpu.sem_alloc : memref<!tpu.dma_semaphore, #tpu.memory_space<semaphore_mem>>
        %dma_start3A = arith.constant 0 : i32
        %dma_start3A_86 = tpu.memref_slice %arg4[%dma_start3A] : memref<32768xf32, #tpu.memory_space<vmem>> -> memref<32736xf32, #tpu.memory_space<vmem>>
        %dma_start3A_87 = arith.constant 197152 : i32
        %dma_start3A_88 = tpu.memref_slice %arg5[%dma_start3A_87] : memref<526336xf32, #tpu.memory_space<vmem_shared>> -> memref<32736xf32, #tpu.memory_space<vmem_shared>>
        %dma_start3A_89 = arith.constant 197152 : i32
        %dma_start3A_90 = tpu.memref_slice %arg5[%dma_start3A_89] : memref<526336xf32, #tpu.memory_space<vmem_shared>> -> memref<32736xf32, #tpu.memory_space<vmem_shared>>
        %dma_start3A_91 = arith.constant 0 : i32
        %dma_start3A_92 = tpu.memref_slice %arg4[%dma_start3A_91] : memref<32768xf32, #tpu.memory_space<vmem>> -> memref<32736xf32, #tpu.memory_space<vmem>>
        tpu.enqueue_dma source(%dma_start3A_92 : memref<32736xf32, #tpu.memory_space<vmem>>) target(%dma_start3A_90 : memref<32736xf32, #tpu.memory_space<vmem_shared>>) target_semaphore(%run_scoped3A : memref<!tpu.dma_semaphore, #tpu.memory_space<semaphore_mem>>)
        %dma_wait3A = arith.constant 0 : i32
        %dma_wait3A_93 = tpu.memref_slice %arg4[%dma_wait3A] : memref<32768xf32, #tpu.memory_space<vmem>> -> memref<32736xf32, #tpu.memory_space<vmem>>
        %dma_wait3A_94 = arith.constant 197152 : i32
        %dma_wait3A_95 = tpu.memref_slice %arg5[%dma_wait3A_94] : memref<526336xf32, #tpu.memory_space<vmem_shared>> -> memref<32736xf32, #tpu.memory_space<vmem_shared>>
        %dma_wait3A_96 = arith.constant 197152 : i32
        %dma_wait3A_97 = tpu.memref_slice %arg5[%dma_wait3A_96] : memref<526336xf32, #tpu.memory_space<vmem_shared>> -> memref<32736xf32, #tpu.memory_space<vmem_shared>>
        %dma_wait3A_98 = arith.constant 0 : i32
        %dma_wait3A_99 = tpu.memref_slice %arg4[%dma_wait3A_98] : memref<32768xf32, #tpu.memory_space<vmem>> -> memref<32736xf32, #tpu.memory_space<vmem>>
        tpu.wait_dma2 semaphore(%run_scoped3A : memref<!tpu.dma_semaphore, #tpu.memory_space<semaphore_mem>>) src(%dma_wait3A_99 : memref<32736xf32, #tpu.memory_space<vmem>>) dst(%dma_wait3A_97 : memref<32736xf32, #tpu.memory_space<vmem_shared>>)
        tpu.yield
      }) : () -> ()
    } else {
    }
    %eq3A_33 = arith.constant 7 : i32
    %eq3A_34 = arith.cmpi eq, %arg1, %eq3A_33 : i32
    %convert_element_type3A_35 = arith.extui %eq3A_34 : i1 to i32
    %cond3A_36 = arith.constant 0 : i32
    %cond3A_37 = arith.cmpi ne, %convert_element_type3A_35, %cond3A_36 : i32
    scf.if %cond3A_37 {
      "tpu.region"() ({
        %run_scoped3A = tpu.sem_alloc : memref<!tpu.dma_semaphore, #tpu.memory_space<semaphore_mem>>
        %dma_start3A = arith.constant 0 : i32
        %dma_start3A_86 = tpu.memref_slice %arg4[%dma_start3A] : memref<32768xf32, #tpu.memory_space<vmem>> -> memref<32768xf32, #tpu.memory_space<vmem>>
        %dma_start3A_87 = arith.constant 98304 : i32
        %dma_start3A_88 = tpu.memref_slice %arg2[%dma_start3A_87] : memref<131072xf32, #tpu.memory_space<hbm>> -> memref<32768xf32, #tpu.memory_space<hbm>>
        %dma_start3A_89 = arith.constant 0 : i32
        %dma_start3A_90 = tpu.memref_slice %arg4[%dma_start3A_89] : memref<32768xf32, #tpu.memory_space<vmem>> -> memref<32768xf32, #tpu.memory_space<vmem>>
        %dma_start3A_91 = arith.constant 98304 : i32
        %dma_start3A_92 = tpu.memref_slice %arg2[%dma_start3A_91] : memref<131072xf32, #tpu.memory_space<hbm>> -> memref<32768xf32, #tpu.memory_space<hbm>>
        tpu.enqueue_dma source(%dma_start3A_92 : memref<32768xf32, #tpu.memory_space<hbm>>) target(%dma_start3A_90 : memref<32768xf32, #tpu.memory_space<vmem>>) target_semaphore(%run_scoped3A : memref<!tpu.dma_semaphore, #tpu.memory_space<semaphore_mem>>)
        %dma_wait3A = arith.constant 0 : i32
        %dma_wait3A_93 = tpu.memref_slice %arg4[%dma_wait3A] : memref<32768xf32, #tpu.memory_space<vmem>> -> memref<32768xf32, #tpu.memory_space<vmem>>
        %dma_wait3A_94 = arith.constant 98304 : i32
        %dma_wait3A_95 = tpu.memref_slice %arg2[%dma_wait3A_94] : memref<131072xf32, #tpu.memory_space<hbm>> -> memref<32768xf32, #tpu.memory_space<hbm>>
        %dma_wait3A_96 = arith.constant 0 : i32
        %dma_wait3A_97 = tpu.memref_slice %arg4[%dma_wait3A_96] : memref<32768xf32, #tpu.memory_space<vmem>> -> memref<32768xf32, #tpu.memory_space<vmem>>
        %dma_wait3A_98 = arith.constant 98304 : i32
        %dma_wait3A_99 = tpu.memref_slice %arg2[%dma_wait3A_98] : memref<131072xf32, #tpu.memory_space<hbm>> -> memref<32768xf32, #tpu.memory_space<hbm>>
        tpu.wait_dma2 semaphore(%run_scoped3A : memref<!tpu.dma_semaphore, #tpu.memory_space<semaphore_mem>>) src(%dma_wait3A_99 : memref<32768xf32, #tpu.memory_space<hbm>>) dst(%dma_wait3A_97 : memref<32768xf32, #tpu.memory_space<vmem>>)
        tpu.yield
      }) : () -> ()
      "tpu.region"() ({
        %run_scoped3A = tpu.sem_alloc : memref<!tpu.dma_semaphore, #tpu.memory_space<semaphore_mem>>
        %dma_start3A = arith.constant 0 : i32
        %dma_start3A_86 = tpu.memref_slice %arg4[%dma_start3A] : memref<32768xf32, #tpu.memory_space<vmem>> -> memref<32768xf32, #tpu.memory_space<vmem>>
        %dma_start3A_87 = arith.constant 229888 : i32
        %dma_start3A_88 = tpu.memref_slice %arg5[%dma_start3A_87] : memref<526336xf32, #tpu.memory_space<vmem_shared>> -> memref<32768xf32, #tpu.memory_space<vmem_shared>>
        %dma_start3A_89 = arith.constant 229888 : i32
        %dma_start3A_90 = tpu.memref_slice %arg5[%dma_start3A_89] : memref<526336xf32, #tpu.memory_space<vmem_shared>> -> memref<32768xf32, #tpu.memory_space<vmem_shared>>
        %dma_start3A_91 = arith.constant 0 : i32
        %dma_start3A_92 = tpu.memref_slice %arg4[%dma_start3A_91] : memref<32768xf32, #tpu.memory_space<vmem>> -> memref<32768xf32, #tpu.memory_space<vmem>>
        tpu.enqueue_dma source(%dma_start3A_92 : memref<32768xf32, #tpu.memory_space<vmem>>) target(%dma_start3A_90 : memref<32768xf32, #tpu.memory_space<vmem_shared>>) target_semaphore(%run_scoped3A : memref<!tpu.dma_semaphore, #tpu.memory_space<semaphore_mem>>)
        %dma_wait3A = arith.constant 0 : i32
        %dma_wait3A_93 = tpu.memref_slice %arg4[%dma_wait3A] : memref<32768xf32, #tpu.memory_space<vmem>> -> memref<32768xf32, #tpu.memory_space<vmem>>
        %dma_wait3A_94 = arith.constant 229888 : i32
        %dma_wait3A_95 = tpu.memref_slice %arg5[%dma_wait3A_94] : memref<526336xf32, #tpu.memory_space<vmem_shared>> -> memref<32768xf32, #tpu.memory_space<vmem_shared>>
        %dma_wait3A_96 = arith.constant 229888 : i32
        %dma_wait3A_97 = tpu.memref_slice %arg5[%dma_wait3A_96] : memref<526336xf32, #tpu.memory_space<vmem_shared>> -> memref<32768xf32, #tpu.memory_space<vmem_shared>>
        %dma_wait3A_98 = arith.constant 0 : i32
        %dma_wait3A_99 = tpu.memref_slice %arg4[%dma_wait3A_98] : memref<32768xf32, #tpu.memory_space<vmem>> -> memref<32768xf32, #tpu.memory_space<vmem>>
        tpu.wait_dma2 semaphore(%run_scoped3A : memref<!tpu.dma_semaphore, #tpu.memory_space<semaphore_mem>>) src(%dma_wait3A_99 : memref<32768xf32, #tpu.memory_space<vmem>>) dst(%dma_wait3A_97 : memref<32768xf32, #tpu.memory_space<vmem_shared>>)
        tpu.yield
      }) : () -> ()
    } else {
    }
    %eq3A_38 = arith.constant 8 : i32
    %eq3A_39 = arith.cmpi eq, %arg1, %eq3A_38 : i32
    %convert_element_type3A_40 = arith.extui %eq3A_39 : i1 to i32
    %cond3A_41 = arith.constant 0 : i32
    %cond3A_42 = arith.cmpi ne, %convert_element_type3A_40, %cond3A_41 : i32
    scf.if %cond3A_42 {
      "tpu.region"() ({
        %run_scoped3A = tpu.sem_alloc : memref<!tpu.dma_semaphore, #tpu.memory_space<semaphore_mem>>
        %dma_start3A = arith.constant 0 : i32
        %dma_start3A_86 = tpu.memref_slice %arg4[%dma_start3A] : memref<32768xf32, #tpu.memory_space<vmem>> -> memref<32768xf32, #tpu.memory_space<vmem>>
        %dma_start3A_87 = arith.constant 0 : i32
        %dma_start3A_88 = tpu.memref_slice %arg2[%dma_start3A_87] : memref<131072xf32, #tpu.memory_space<hbm>> -> memref<32768xf32, #tpu.memory_space<hbm>>
        %dma_start3A_89 = arith.constant 0 : i32
        %dma_start3A_90 = tpu.memref_slice %arg4[%dma_start3A_89] : memref<32768xf32, #tpu.memory_space<vmem>> -> memref<32768xf32, #tpu.memory_space<vmem>>
        %dma_start3A_91 = arith.constant 0 : i32
        %dma_start3A_92 = tpu.memref_slice %arg2[%dma_start3A_91] : memref<131072xf32, #tpu.memory_space<hbm>> -> memref<32768xf32, #tpu.memory_space<hbm>>
        tpu.enqueue_dma source(%dma_start3A_92 : memref<32768xf32, #tpu.memory_space<hbm>>) target(%dma_start3A_90 : memref<32768xf32, #tpu.memory_space<vmem>>) target_semaphore(%run_scoped3A : memref<!tpu.dma_semaphore, #tpu.memory_space<semaphore_mem>>)
        %dma_wait3A = arith.constant 0 : i32
        %dma_wait3A_93 = tpu.memref_slice %arg4[%dma_wait3A] : memref<32768xf32, #tpu.memory_space<vmem>> -> memref<32768xf32, #tpu.memory_space<vmem>>
        %dma_wait3A_94 = arith.constant 0 : i32
        %dma_wait3A_95 = tpu.memref_slice %arg2[%dma_wait3A_94] : memref<131072xf32, #tpu.memory_space<hbm>> -> memref<32768xf32, #tpu.memory_space<hbm>>
        %dma_wait3A_96 = arith.constant 0 : i32
        %dma_wait3A_97 = tpu.memref_slice %arg4[%dma_wait3A_96] : memref<32768xf32, #tpu.memory_space<vmem>> -> memref<32768xf32, #tpu.memory_space<vmem>>
        %dma_wait3A_98 = arith.constant 0 : i32
        %dma_wait3A_99 = tpu.memref_slice %arg2[%dma_wait3A_98] : memref<131072xf32, #tpu.memory_space<hbm>> -> memref<32768xf32, #tpu.memory_space<hbm>>
        tpu.wait_dma2 semaphore(%run_scoped3A : memref<!tpu.dma_semaphore, #tpu.memory_space<semaphore_mem>>) src(%dma_wait3A_99 : memref<32768xf32, #tpu.memory_space<hbm>>) dst(%dma_wait3A_97 : memref<32768xf32, #tpu.memory_space<vmem>>)
        tpu.yield
      }) : () -> ()
      "tpu.region"() ({
        %run_scoped3A = tpu.sem_alloc : memref<!tpu.dma_semaphore, #tpu.memory_space<semaphore_mem>>
        %dma_start3A = arith.constant 0 : i32
        %dma_start3A_86 = tpu.memref_slice %arg4[%dma_start3A] : memref<32768xf32, #tpu.memory_space<vmem>> -> memref<32768xf32, #tpu.memory_space<vmem>>
        %dma_start3A_87 = arith.constant 263232 : i32
        %dma_start3A_88 = tpu.memref_slice %arg5[%dma_start3A_87] : memref<526336xf32, #tpu.memory_space<vmem_shared>> -> memref<32768xf32, #tpu.memory_space<vmem_shared>>
        %dma_start3A_89 = arith.constant 263232 : i32
        %dma_start3A_90 = tpu.memref_slice %arg5[%dma_start3A_89] : memref<526336xf32, #tpu.memory_space<vmem_shared>> -> memref<32768xf32, #tpu.memory_space<vmem_shared>>
        %dma_start3A_91 = arith.constant 0 : i32
        %dma_start3A_92 = tpu.memref_slice %arg4[%dma_start3A_91] : memref<32768xf32, #tpu.memory_space<vmem>> -> memref<32768xf32, #tpu.memory_space<vmem>>
        tpu.enqueue_dma source(%dma_start3A_92 : memref<32768xf32, #tpu.memory_space<vmem>>) target(%dma_start3A_90 : memref<32768xf32, #tpu.memory_space<vmem_shared>>) target_semaphore(%run_scoped3A : memref<!tpu.dma_semaphore, #tpu.memory_space<semaphore_mem>>)
        %dma_wait3A = arith.constant 0 : i32
        %dma_wait3A_93 = tpu.memref_slice %arg4[%dma_wait3A] : memref<32768xf32, #tpu.memory_space<vmem>> -> memref<32768xf32, #tpu.memory_space<vmem>>
        %dma_wait3A_94 = arith.constant 263232 : i32
        %dma_wait3A_95 = tpu.memref_slice %arg5[%dma_wait3A_94] : memref<526336xf32, #tpu.memory_space<vmem_shared>> -> memref<32768xf32, #tpu.memory_space<vmem_shared>>
        %dma_wait3A_96 = arith.constant 263232 : i32
        %dma_wait3A_97 = tpu.memref_slice %arg5[%dma_wait3A_96] : memref<526336xf32, #tpu.memory_space<vmem_shared>> -> memref<32768xf32, #tpu.memory_space<vmem_shared>>
        %dma_wait3A_98 = arith.constant 0 : i32
        %dma_wait3A_99 = tpu.memref_slice %arg4[%dma_wait3A_98] : memref<32768xf32, #tpu.memory_space<vmem>> -> memref<32768xf32, #tpu.memory_space<vmem>>
        tpu.wait_dma2 semaphore(%run_scoped3A : memref<!tpu.dma_semaphore, #tpu.memory_space<semaphore_mem>>) src(%dma_wait3A_99 : memref<32768xf32, #tpu.memory_space<vmem>>) dst(%dma_wait3A_97 : memref<32768xf32, #tpu.memory_space<vmem_shared>>)
        tpu.yield
      }) : () -> ()
    } else {
    }
    %eq3A_43 = arith.constant 9 : i32
    %eq3A_44 = arith.cmpi eq, %arg1, %eq3A_43 : i32
    %convert_element_type3A_45 = arith.extui %eq3A_44 : i1 to i32
    %cond3A_46 = arith.constant 0 : i32
    %cond3A_47 = arith.cmpi ne, %convert_element_type3A_45, %cond3A_46 : i32
    scf.if %cond3A_47 {
      "tpu.region"() ({
        %run_scoped3A = tpu.sem_alloc : memref<!tpu.dma_semaphore, #tpu.memory_space<semaphore_mem>>
        %dma_start3A = arith.constant 0 : i32
        %dma_start3A_86 = tpu.memref_slice %arg4[%dma_start3A] : memref<32768xf32, #tpu.memory_space<vmem>> -> memref<32768xf32, #tpu.memory_space<vmem>>
        %dma_start3A_87 = arith.constant 32768 : i32
        %dma_start3A_88 = tpu.memref_slice %arg2[%dma_start3A_87] : memref<131072xf32, #tpu.memory_space<hbm>> -> memref<32768xf32, #tpu.memory_space<hbm>>
        %dma_start3A_89 = arith.constant 0 : i32
        %dma_start3A_90 = tpu.memref_slice %arg4[%dma_start3A_89] : memref<32768xf32, #tpu.memory_space<vmem>> -> memref<32768xf32, #tpu.memory_space<vmem>>
        %dma_start3A_91 = arith.constant 32768 : i32
        %dma_start3A_92 = tpu.memref_slice %arg2[%dma_start3A_91] : memref<131072xf32, #tpu.memory_space<hbm>> -> memref<32768xf32, #tpu.memory_space<hbm>>
        tpu.enqueue_dma source(%dma_start3A_92 : memref<32768xf32, #tpu.memory_space<hbm>>) target(%dma_start3A_90 : memref<32768xf32, #tpu.memory_space<vmem>>) target_semaphore(%run_scoped3A : memref<!tpu.dma_semaphore, #tpu.memory_space<semaphore_mem>>)
        %dma_wait3A = arith.constant 0 : i32
        %dma_wait3A_93 = tpu.memref_slice %arg4[%dma_wait3A] : memref<32768xf32, #tpu.memory_space<vmem>> -> memref<32768xf32, #tpu.memory_space<vmem>>
        %dma_wait3A_94 = arith.constant 32768 : i32
        %dma_wait3A_95 = tpu.memref_slice %arg2[%dma_wait3A_94] : memref<131072xf32, #tpu.memory_space<hbm>> -> memref<32768xf32, #tpu.memory_space<hbm>>
        %dma_wait3A_96 = arith.constant 0 : i32
        %dma_wait3A_97 = tpu.memref_slice %arg4[%dma_wait3A_96] : memref<32768xf32, #tpu.memory_space<vmem>> -> memref<32768xf32, #tpu.memory_space<vmem>>
        %dma_wait3A_98 = arith.constant 32768 : i32
        %dma_wait3A_99 = tpu.memref_slice %arg2[%dma_wait3A_98] : memref<131072xf32, #tpu.memory_space<hbm>> -> memref<32768xf32, #tpu.memory_space<hbm>>
        tpu.wait_dma2 semaphore(%run_scoped3A : memref<!tpu.dma_semaphore, #tpu.memory_space<semaphore_mem>>) src(%dma_wait3A_99 : memref<32768xf32, #tpu.memory_space<hbm>>) dst(%dma_wait3A_97 : memref<32768xf32, #tpu.memory_space<vmem>>)
        tpu.yield
      }) : () -> ()
      "tpu.region"() ({
        %run_scoped3A = tpu.sem_alloc : memref<!tpu.dma_semaphore, #tpu.memory_space<semaphore_mem>>
        %dma_start3A = arith.constant 0 : i32
        %dma_start3A_86 = tpu.memref_slice %arg4[%dma_start3A] : memref<32768xf32, #tpu.memory_space<vmem>> -> memref<32768xf32, #tpu.memory_space<vmem>>
        %dma_start3A_87 = arith.constant 296000 : i32
        %dma_start3A_88 = tpu.memref_slice %arg5[%dma_start3A_87] : memref<526336xf32, #tpu.memory_space<vmem_shared>> -> memref<32768xf32, #tpu.memory_space<vmem_shared>>
        %dma_start3A_89 = arith.constant 296000 : i32
        %dma_start3A_90 = tpu.memref_slice %arg5[%dma_start3A_89] : memref<526336xf32, #tpu.memory_space<vmem_shared>> -> memref<32768xf32, #tpu.memory_space<vmem_shared>>
        %dma_start3A_91 = arith.constant 0 : i32
        %dma_start3A_92 = tpu.memref_slice %arg4[%dma_start3A_91] : memref<32768xf32, #tpu.memory_space<vmem>> -> memref<32768xf32, #tpu.memory_space<vmem>>
        tpu.enqueue_dma source(%dma_start3A_92 : memref<32768xf32, #tpu.memory_space<vmem>>) target(%dma_start3A_90 : memref<32768xf32, #tpu.memory_space<vmem_shared>>) target_semaphore(%run_scoped3A : memref<!tpu.dma_semaphore, #tpu.memory_space<semaphore_mem>>)
        %dma_wait3A = arith.constant 0 : i32
        %dma_wait3A_93 = tpu.memref_slice %arg4[%dma_wait3A] : memref<32768xf32, #tpu.memory_space<vmem>> -> memref<32768xf32, #tpu.memory_space<vmem>>
        %dma_wait3A_94 = arith.constant 296000 : i32
        %dma_wait3A_95 = tpu.memref_slice %arg5[%dma_wait3A_94] : memref<526336xf32, #tpu.memory_space<vmem_shared>> -> memref<32768xf32, #tpu.memory_space<vmem_shared>>
        %dma_wait3A_96 = arith.constant 296000 : i32
        %dma_wait3A_97 = tpu.memref_slice %arg5[%dma_wait3A_96] : memref<526336xf32, #tpu.memory_space<vmem_shared>> -> memref<32768xf32, #tpu.memory_space<vmem_shared>>
        %dma_wait3A_98 = arith.constant 0 : i32
        %dma_wait3A_99 = tpu.memref_slice %arg4[%dma_wait3A_98] : memref<32768xf32, #tpu.memory_space<vmem>> -> memref<32768xf32, #tpu.memory_space<vmem>>
        tpu.wait_dma2 semaphore(%run_scoped3A : memref<!tpu.dma_semaphore, #tpu.memory_space<semaphore_mem>>) src(%dma_wait3A_99 : memref<32768xf32, #tpu.memory_space<vmem>>) dst(%dma_wait3A_97 : memref<32768xf32, #tpu.memory_space<vmem_shared>>)
        tpu.yield
      }) : () -> ()
    } else {
    }
    %eq3A_48 = arith.constant 10 : i32
    %eq3A_49 = arith.cmpi eq, %arg1, %eq3A_48 : i32
    %convert_element_type3A_50 = arith.extui %eq3A_49 : i1 to i32
    %cond3A_51 = arith.constant 0 : i32
    %cond3A_52 = arith.cmpi ne, %convert_element_type3A_50, %cond3A_51 : i32
    scf.if %cond3A_52 {
      "tpu.region"() ({
        %run_scoped3A = tpu.sem_alloc : memref<!tpu.dma_semaphore, #tpu.memory_space<semaphore_mem>>
        %dma_start3A = arith.constant 0 : i32
        %dma_start3A_86 = tpu.memref_slice %arg4[%dma_start3A] : memref<32768xf32, #tpu.memory_space<vmem>> -> memref<32736xf32, #tpu.memory_space<vmem>>
        %dma_start3A_87 = arith.constant 65568 : i32
        %dma_start3A_88 = tpu.memref_slice %arg2[%dma_start3A_87] : memref<131072xf32, #tpu.memory_space<hbm>> -> memref<32736xf32, #tpu.memory_space<hbm>>
        %dma_start3A_89 = arith.constant 0 : i32
        %dma_start3A_90 = tpu.memref_slice %arg4[%dma_start3A_89] : memref<32768xf32, #tpu.memory_space<vmem>> -> memref<32736xf32, #tpu.memory_space<vmem>>
        %dma_start3A_91 = arith.constant 65568 : i32
        %dma_start3A_92 = tpu.memref_slice %arg2[%dma_start3A_91] : memref<131072xf32, #tpu.memory_space<hbm>> -> memref<32736xf32, #tpu.memory_space<hbm>>
        tpu.enqueue_dma source(%dma_start3A_92 : memref<32736xf32, #tpu.memory_space<hbm>>) target(%dma_start3A_90 : memref<32736xf32, #tpu.memory_space<vmem>>) target_semaphore(%run_scoped3A : memref<!tpu.dma_semaphore, #tpu.memory_space<semaphore_mem>>)
        %dma_wait3A = arith.constant 0 : i32
        %dma_wait3A_93 = tpu.memref_slice %arg4[%dma_wait3A] : memref<32768xf32, #tpu.memory_space<vmem>> -> memref<32736xf32, #tpu.memory_space<vmem>>
        %dma_wait3A_94 = arith.constant 65568 : i32
        %dma_wait3A_95 = tpu.memref_slice %arg2[%dma_wait3A_94] : memref<131072xf32, #tpu.memory_space<hbm>> -> memref<32736xf32, #tpu.memory_space<hbm>>
        %dma_wait3A_96 = arith.constant 0 : i32
        %dma_wait3A_97 = tpu.memref_slice %arg4[%dma_wait3A_96] : memref<32768xf32, #tpu.memory_space<vmem>> -> memref<32736xf32, #tpu.memory_space<vmem>>
        %dma_wait3A_98 = arith.constant 65568 : i32
        %dma_wait3A_99 = tpu.memref_slice %arg2[%dma_wait3A_98] : memref<131072xf32, #tpu.memory_space<hbm>> -> memref<32736xf32, #tpu.memory_space<hbm>>
        tpu.wait_dma2 semaphore(%run_scoped3A : memref<!tpu.dma_semaphore, #tpu.memory_space<semaphore_mem>>) src(%dma_wait3A_99 : memref<32736xf32, #tpu.memory_space<hbm>>) dst(%dma_wait3A_97 : memref<32736xf32, #tpu.memory_space<vmem>>)
        tpu.yield
      }) : () -> ()
      "tpu.region"() ({
        %run_scoped3A = tpu.sem_alloc : memref<!tpu.dma_semaphore, #tpu.memory_space<semaphore_mem>>
        %dma_start3A = arith.constant 0 : i32
        %dma_start3A_86 = tpu.memref_slice %arg4[%dma_start3A] : memref<32768xf32, #tpu.memory_space<vmem>> -> memref<32736xf32, #tpu.memory_space<vmem>>
        %dma_start3A_87 = arith.constant 328768 : i32
        %dma_start3A_88 = tpu.memref_slice %arg5[%dma_start3A_87] : memref<526336xf32, #tpu.memory_space<vmem_shared>> -> memref<32736xf32, #tpu.memory_space<vmem_shared>>
        %dma_start3A_89 = arith.constant 328768 : i32
        %dma_start3A_90 = tpu.memref_slice %arg5[%dma_start3A_89] : memref<526336xf32, #tpu.memory_space<vmem_shared>> -> memref<32736xf32, #tpu.memory_space<vmem_shared>>
        %dma_start3A_91 = arith.constant 0 : i32
        %dma_start3A_92 = tpu.memref_slice %arg4[%dma_start3A_91] : memref<32768xf32, #tpu.memory_space<vmem>> -> memref<32736xf32, #tpu.memory_space<vmem>>
        tpu.enqueue_dma source(%dma_start3A_92 : memref<32736xf32, #tpu.memory_space<vmem>>) target(%dma_start3A_90 : memref<32736xf32, #tpu.memory_space<vmem_shared>>) target_semaphore(%run_scoped3A : memref<!tpu.dma_semaphore, #tpu.memory_space<semaphore_mem>>)
        %dma_wait3A = arith.constant 0 : i32
        %dma_wait3A_93 = tpu.memref_slice %arg4[%dma_wait3A] : memref<32768xf32, #tpu.memory_space<vmem>> -> memref<32736xf32, #tpu.memory_space<vmem>>
        %dma_wait3A_94 = arith.constant 328768 : i32
        %dma_wait3A_95 = tpu.memref_slice %arg5[%dma_wait3A_94] : memref<526336xf32, #tpu.memory_space<vmem_shared>> -> memref<32736xf32, #tpu.memory_space<vmem_shared>>
        %dma_wait3A_96 = arith.constant 328768 : i32
        %dma_wait3A_97 = tpu.memref_slice %arg5[%dma_wait3A_96] : memref<526336xf32, #tpu.memory_space<vmem_shared>> -> memref<32736xf32, #tpu.memory_space<vmem_shared>>
        %dma_wait3A_98 = arith.constant 0 : i32
        %dma_wait3A_99 = tpu.memref_slice %arg4[%dma_wait3A_98] : memref<32768xf32, #tpu.memory_space<vmem>> -> memref<32736xf32, #tpu.memory_space<vmem>>
        tpu.wait_dma2 semaphore(%run_scoped3A : memref<!tpu.dma_semaphore, #tpu.memory_space<semaphore_mem>>) src(%dma_wait3A_99 : memref<32736xf32, #tpu.memory_space<vmem>>) dst(%dma_wait3A_97 : memref<32736xf32, #tpu.memory_space<vmem_shared>>)
        tpu.yield
      }) : () -> ()
    } else {
    }
    %eq3A_53 = arith.constant 11 : i32
    %eq3A_54 = arith.cmpi eq, %arg1, %eq3A_53 : i32
    %convert_element_type3A_55 = arith.extui %eq3A_54 : i1 to i32
    %cond3A_56 = arith.constant 0 : i32
    %cond3A_57 = arith.cmpi ne, %convert_element_type3A_55, %cond3A_56 : i32
    scf.if %cond3A_57 {
      "tpu.region"() ({
        %run_scoped3A = tpu.sem_alloc : memref<!tpu.dma_semaphore, #tpu.memory_space<semaphore_mem>>
        %dma_start3A = arith.constant 0 : i32
        %dma_start3A_86 = tpu.memref_slice %arg4[%dma_start3A] : memref<32768xf32, #tpu.memory_space<vmem>> -> memref<32768xf32, #tpu.memory_space<vmem>>
        %dma_start3A_87 = arith.constant 98304 : i32
        %dma_start3A_88 = tpu.memref_slice %arg2[%dma_start3A_87] : memref<131072xf32, #tpu.memory_space<hbm>> -> memref<32768xf32, #tpu.memory_space<hbm>>
        %dma_start3A_89 = arith.constant 0 : i32
        %dma_start3A_90 = tpu.memref_slice %arg4[%dma_start3A_89] : memref<32768xf32, #tpu.memory_space<vmem>> -> memref<32768xf32, #tpu.memory_space<vmem>>
        %dma_start3A_91 = arith.constant 98304 : i32
        %dma_start3A_92 = tpu.memref_slice %arg2[%dma_start3A_91] : memref<131072xf32, #tpu.memory_space<hbm>> -> memref<32768xf32, #tpu.memory_space<hbm>>
        tpu.enqueue_dma source(%dma_start3A_92 : memref<32768xf32, #tpu.memory_space<hbm>>) target(%dma_start3A_90 : memref<32768xf32, #tpu.memory_space<vmem>>) target_semaphore(%run_scoped3A : memref<!tpu.dma_semaphore, #tpu.memory_space<semaphore_mem>>)
        %dma_wait3A = arith.constant 0 : i32
        %dma_wait3A_93 = tpu.memref_slice %arg4[%dma_wait3A] : memref<32768xf32, #tpu.memory_space<vmem>> -> memref<32768xf32, #tpu.memory_space<vmem>>
        %dma_wait3A_94 = arith.constant 98304 : i32
        %dma_wait3A_95 = tpu.memref_slice %arg2[%dma_wait3A_94] : memref<131072xf32, #tpu.memory_space<hbm>> -> memref<32768xf32, #tpu.memory_space<hbm>>
        %dma_wait3A_96 = arith.constant 0 : i32
        %dma_wait3A_97 = tpu.memref_slice %arg4[%dma_wait3A_96] : memref<32768xf32, #tpu.memory_space<vmem>> -> memref<32768xf32, #tpu.memory_space<vmem>>
        %dma_wait3A_98 = arith.constant 98304 : i32
        %dma_wait3A_99 = tpu.memref_slice %arg2[%dma_wait3A_98] : memref<131072xf32, #tpu.memory_space<hbm>> -> memref<32768xf32, #tpu.memory_space<hbm>>
        tpu.wait_dma2 semaphore(%run_scoped3A : memref<!tpu.dma_semaphore, #tpu.memory_space<semaphore_mem>>) src(%dma_wait3A_99 : memref<32768xf32, #tpu.memory_space<hbm>>) dst(%dma_wait3A_97 : memref<32768xf32, #tpu.memory_space<vmem>>)
        tpu.yield
      }) : () -> ()
      "tpu.region"() ({
        %run_scoped3A = tpu.sem_alloc : memref<!tpu.dma_semaphore, #tpu.memory_space<semaphore_mem>>
        %dma_start3A = arith.constant 0 : i32
        %dma_start3A_86 = tpu.memref_slice %arg4[%dma_start3A] : memref<32768xf32, #tpu.memory_space<vmem>> -> memref<32768xf32, #tpu.memory_space<vmem>>
        %dma_start3A_87 = arith.constant 361504 : i32
        %dma_start3A_88 = tpu.memref_slice %arg5[%dma_start3A_87] : memref<526336xf32, #tpu.memory_space<vmem_shared>> -> memref<32768xf32, #tpu.memory_space<vmem_shared>>
        %dma_start3A_89 = arith.constant 361504 : i32
        %dma_start3A_90 = tpu.memref_slice %arg5[%dma_start3A_89] : memref<526336xf32, #tpu.memory_space<vmem_shared>> -> memref<32768xf32, #tpu.memory_space<vmem_shared>>
        %dma_start3A_91 = arith.constant 0 : i32
        %dma_start3A_92 = tpu.memref_slice %arg4[%dma_start3A_91] : memref<32768xf32, #tpu.memory_space<vmem>> -> memref<32768xf32, #tpu.memory_space<vmem>>
        tpu.enqueue_dma source(%dma_start3A_92 : memref<32768xf32, #tpu.memory_space<vmem>>) target(%dma_start3A_90 : memref<32768xf32, #tpu.memory_space<vmem_shared>>) target_semaphore(%run_scoped3A : memref<!tpu.dma_semaphore, #tpu.memory_space<semaphore_mem>>)
        %dma_wait3A = arith.constant 0 : i32
        %dma_wait3A_93 = tpu.memref_slice %arg4[%dma_wait3A] : memref<32768xf32, #tpu.memory_space<vmem>> -> memref<32768xf32, #tpu.memory_space<vmem>>
        %dma_wait3A_94 = arith.constant 361504 : i32
        %dma_wait3A_95 = tpu.memref_slice %arg5[%dma_wait3A_94] : memref<526336xf32, #tpu.memory_space<vmem_shared>> -> memref<32768xf32, #tpu.memory_space<vmem_shared>>
        %dma_wait3A_96 = arith.constant 361504 : i32
        %dma_wait3A_97 = tpu.memref_slice %arg5[%dma_wait3A_96] : memref<526336xf32, #tpu.memory_space<vmem_shared>> -> memref<32768xf32, #tpu.memory_space<vmem_shared>>
        %dma_wait3A_98 = arith.constant 0 : i32
        %dma_wait3A_99 = tpu.memref_slice %arg4[%dma_wait3A_98] : memref<32768xf32, #tpu.memory_space<vmem>> -> memref<32768xf32, #tpu.memory_space<vmem>>
        tpu.wait_dma2 semaphore(%run_scoped3A : memref<!tpu.dma_semaphore, #tpu.memory_space<semaphore_mem>>) src(%dma_wait3A_99 : memref<32768xf32, #tpu.memory_space<vmem>>) dst(%dma_wait3A_97 : memref<32768xf32, #tpu.memory_space<vmem_shared>>)
        tpu.yield
      }) : () -> ()
    } else {
    }
    %eq3A_58 = arith.constant 12 : i32
    %eq3A_59 = arith.cmpi eq, %arg1, %eq3A_58 : i32
    %convert_element_type3A_60 = arith.extui %eq3A_59 : i1 to i32
    %cond3A_61 = arith.constant 0 : i32
    %cond3A_62 = arith.cmpi ne, %convert_element_type3A_60, %cond3A_61 : i32
    scf.if %cond3A_62 {
      "tpu.region"() ({
        %run_scoped3A = tpu.sem_alloc : memref<!tpu.dma_semaphore, #tpu.memory_space<semaphore_mem>>
        %dma_start3A = arith.constant 0 : i32
        %dma_start3A_86 = tpu.memref_slice %arg4[%dma_start3A] : memref<32768xf32, #tpu.memory_space<vmem>> -> memref<32768xf32, #tpu.memory_space<vmem>>
        %dma_start3A_87 = arith.constant 0 : i32
        %dma_start3A_88 = tpu.memref_slice %arg2[%dma_start3A_87] : memref<131072xf32, #tpu.memory_space<hbm>> -> memref<32768xf32, #tpu.memory_space<hbm>>
        %dma_start3A_89 = arith.constant 0 : i32
        %dma_start3A_90 = tpu.memref_slice %arg4[%dma_start3A_89] : memref<32768xf32, #tpu.memory_space<vmem>> -> memref<32768xf32, #tpu.memory_space<vmem>>
        %dma_start3A_91 = arith.constant 0 : i32
        %dma_start3A_92 = tpu.memref_slice %arg2[%dma_start3A_91] : memref<131072xf32, #tpu.memory_space<hbm>> -> memref<32768xf32, #tpu.memory_space<hbm>>
        tpu.enqueue_dma source(%dma_start3A_92 : memref<32768xf32, #tpu.memory_space<hbm>>) target(%dma_start3A_90 : memref<32768xf32, #tpu.memory_space<vmem>>) target_semaphore(%run_scoped3A : memref<!tpu.dma_semaphore, #tpu.memory_space<semaphore_mem>>)
        %dma_wait3A = arith.constant 0 : i32
        %dma_wait3A_93 = tpu.memref_slice %arg4[%dma_wait3A] : memref<32768xf32, #tpu.memory_space<vmem>> -> memref<32768xf32, #tpu.memory_space<vmem>>
        %dma_wait3A_94 = arith.constant 0 : i32
        %dma_wait3A_95 = tpu.memref_slice %arg2[%dma_wait3A_94] : memref<131072xf32, #tpu.memory_space<hbm>> -> memref<32768xf32, #tpu.memory_space<hbm>>
        %dma_wait3A_96 = arith.constant 0 : i32
        %dma_wait3A_97 = tpu.memref_slice %arg4[%dma_wait3A_96] : memref<32768xf32, #tpu.memory_space<vmem>> -> memref<32768xf32, #tpu.memory_space<vmem>>
        %dma_wait3A_98 = arith.constant 0 : i32
        %dma_wait3A_99 = tpu.memref_slice %arg2[%dma_wait3A_98] : memref<131072xf32, #tpu.memory_space<hbm>> -> memref<32768xf32, #tpu.memory_space<hbm>>
        tpu.wait_dma2 semaphore(%run_scoped3A : memref<!tpu.dma_semaphore, #tpu.memory_space<semaphore_mem>>) src(%dma_wait3A_99 : memref<32768xf32, #tpu.memory_space<hbm>>) dst(%dma_wait3A_97 : memref<32768xf32, #tpu.memory_space<vmem>>)
        tpu.yield
      }) : () -> ()
      "tpu.region"() ({
        %run_scoped3A = tpu.sem_alloc : memref<!tpu.dma_semaphore, #tpu.memory_space<semaphore_mem>>
        %dma_start3A = arith.constant 0 : i32
        %dma_start3A_86 = tpu.memref_slice %arg4[%dma_start3A] : memref<32768xf32, #tpu.memory_space<vmem>> -> memref<32768xf32, #tpu.memory_space<vmem>>
        %dma_start3A_87 = arith.constant 394848 : i32
        %dma_start3A_88 = tpu.memref_slice %arg5[%dma_start3A_87] : memref<526336xf32, #tpu.memory_space<vmem_shared>> -> memref<32768xf32, #tpu.memory_space<vmem_shared>>
        %dma_start3A_89 = arith.constant 394848 : i32
        %dma_start3A_90 = tpu.memref_slice %arg5[%dma_start3A_89] : memref<526336xf32, #tpu.memory_space<vmem_shared>> -> memref<32768xf32, #tpu.memory_space<vmem_shared>>
        %dma_start3A_91 = arith.constant 0 : i32
        %dma_start3A_92 = tpu.memref_slice %arg4[%dma_start3A_91] : memref<32768xf32, #tpu.memory_space<vmem>> -> memref<32768xf32, #tpu.memory_space<vmem>>
        tpu.enqueue_dma source(%dma_start3A_92 : memref<32768xf32, #tpu.memory_space<vmem>>) target(%dma_start3A_90 : memref<32768xf32, #tpu.memory_space<vmem_shared>>) target_semaphore(%run_scoped3A : memref<!tpu.dma_semaphore, #tpu.memory_space<semaphore_mem>>)
        %dma_wait3A = arith.constant 0 : i32
        %dma_wait3A_93 = tpu.memref_slice %arg4[%dma_wait3A] : memref<32768xf32, #tpu.memory_space<vmem>> -> memref<32768xf32, #tpu.memory_space<vmem>>
        %dma_wait3A_94 = arith.constant 394848 : i32
        %dma_wait3A_95 = tpu.memref_slice %arg5[%dma_wait3A_94] : memref<526336xf32, #tpu.memory_space<vmem_shared>> -> memref<32768xf32, #tpu.memory_space<vmem_shared>>
        %dma_wait3A_96 = arith.constant 394848 : i32
        %dma_wait3A_97 = tpu.memref_slice %arg5[%dma_wait3A_96] : memref<526336xf32, #tpu.memory_space<vmem_shared>> -> memref<32768xf32, #tpu.memory_space<vmem_shared>>
        %dma_wait3A_98 = arith.constant 0 : i32
        %dma_wait3A_99 = tpu.memref_slice %arg4[%dma_wait3A_98] : memref<32768xf32, #tpu.memory_space<vmem>> -> memref<32768xf32, #tpu.memory_space<vmem>>
        tpu.wait_dma2 semaphore(%run_scoped3A : memref<!tpu.dma_semaphore, #tpu.memory_space<semaphore_mem>>) src(%dma_wait3A_99 : memref<32768xf32, #tpu.memory_space<vmem>>) dst(%dma_wait3A_97 : memref<32768xf32, #tpu.memory_space<vmem_shared>>)
        tpu.yield
      }) : () -> ()
    } else {
    }
    %eq3A_63 = arith.constant 13 : i32
    %eq3A_64 = arith.cmpi eq, %arg1, %eq3A_63 : i32
    %convert_element_type3A_65 = arith.extui %eq3A_64 : i1 to i32
    %cond3A_66 = arith.constant 0 : i32
    %cond3A_67 = arith.cmpi ne, %convert_element_type3A_65, %cond3A_66 : i32
    scf.if %cond3A_67 {
      "tpu.region"() ({
        %run_scoped3A = tpu.sem_alloc : memref<!tpu.dma_semaphore, #tpu.memory_space<semaphore_mem>>
        %dma_start3A = arith.constant 0 : i32
        %dma_start3A_86 = tpu.memref_slice %arg4[%dma_start3A] : memref<32768xf32, #tpu.memory_space<vmem>> -> memref<32768xf32, #tpu.memory_space<vmem>>
        %dma_start3A_87 = arith.constant 32768 : i32
        %dma_start3A_88 = tpu.memref_slice %arg2[%dma_start3A_87] : memref<131072xf32, #tpu.memory_space<hbm>> -> memref<32768xf32, #tpu.memory_space<hbm>>
        %dma_start3A_89 = arith.constant 0 : i32
        %dma_start3A_90 = tpu.memref_slice %arg4[%dma_start3A_89] : memref<32768xf32, #tpu.memory_space<vmem>> -> memref<32768xf32, #tpu.memory_space<vmem>>
        %dma_start3A_91 = arith.constant 32768 : i32
        %dma_start3A_92 = tpu.memref_slice %arg2[%dma_start3A_91] : memref<131072xf32, #tpu.memory_space<hbm>> -> memref<32768xf32, #tpu.memory_space<hbm>>
        tpu.enqueue_dma source(%dma_start3A_92 : memref<32768xf32, #tpu.memory_space<hbm>>) target(%dma_start3A_90 : memref<32768xf32, #tpu.memory_space<vmem>>) target_semaphore(%run_scoped3A : memref<!tpu.dma_semaphore, #tpu.memory_space<semaphore_mem>>)
        %dma_wait3A = arith.constant 0 : i32
        %dma_wait3A_93 = tpu.memref_slice %arg4[%dma_wait3A] : memref<32768xf32, #tpu.memory_space<vmem>> -> memref<32768xf32, #tpu.memory_space<vmem>>
        %dma_wait3A_94 = arith.constant 32768 : i32
        %dma_wait3A_95 = tpu.memref_slice %arg2[%dma_wait3A_94] : memref<131072xf32, #tpu.memory_space<hbm>> -> memref<32768xf32, #tpu.memory_space<hbm>>
        %dma_wait3A_96 = arith.constant 0 : i32
        %dma_wait3A_97 = tpu.memref_slice %arg4[%dma_wait3A_96] : memref<32768xf32, #tpu.memory_space<vmem>> -> memref<32768xf32, #tpu.memory_space<vmem>>
        %dma_wait3A_98 = arith.constant 32768 : i32
        %dma_wait3A_99 = tpu.memref_slice %arg2[%dma_wait3A_98] : memref<131072xf32, #tpu.memory_space<hbm>> -> memref<32768xf32, #tpu.memory_space<hbm>>
        tpu.wait_dma2 semaphore(%run_scoped3A : memref<!tpu.dma_semaphore, #tpu.memory_space<semaphore_mem>>) src(%dma_wait3A_99 : memref<32768xf32, #tpu.memory_space<hbm>>) dst(%dma_wait3A_97 : memref<32768xf32, #tpu.memory_space<vmem>>)
        tpu.yield
      }) : () -> ()
      "tpu.region"() ({
        %run_scoped3A = tpu.sem_alloc : memref<!tpu.dma_semaphore, #tpu.memory_space<semaphore_mem>>
        %dma_start3A = arith.constant 0 : i32
        %dma_start3A_86 = tpu.memref_slice %arg4[%dma_start3A] : memref<32768xf32, #tpu.memory_space<vmem>> -> memref<32768xf32, #tpu.memory_space<vmem>>
        %dma_start3A_87 = arith.constant 427616 : i32
        %dma_start3A_88 = tpu.memref_slice %arg5[%dma_start3A_87] : memref<526336xf32, #tpu.memory_space<vmem_shared>> -> memref<32768xf32, #tpu.memory_space<vmem_shared>>
        %dma_start3A_89 = arith.constant 427616 : i32
        %dma_start3A_90 = tpu.memref_slice %arg5[%dma_start3A_89] : memref<526336xf32, #tpu.memory_space<vmem_shared>> -> memref<32768xf32, #tpu.memory_space<vmem_shared>>
        %dma_start3A_91 = arith.constant 0 : i32
        %dma_start3A_92 = tpu.memref_slice %arg4[%dma_start3A_91] : memref<32768xf32, #tpu.memory_space<vmem>> -> memref<32768xf32, #tpu.memory_space<vmem>>
        tpu.enqueue_dma source(%dma_start3A_92 : memref<32768xf32, #tpu.memory_space<vmem>>) target(%dma_start3A_90 : memref<32768xf32, #tpu.memory_space<vmem_shared>>) target_semaphore(%run_scoped3A : memref<!tpu.dma_semaphore, #tpu.memory_space<semaphore_mem>>)
        %dma_wait3A = arith.constant 0 : i32
        %dma_wait3A_93 = tpu.memref_slice %arg4[%dma_wait3A] : memref<32768xf32, #tpu.memory_space<vmem>> -> memref<32768xf32, #tpu.memory_space<vmem>>
        %dma_wait3A_94 = arith.constant 427616 : i32
        %dma_wait3A_95 = tpu.memref_slice %arg5[%dma_wait3A_94] : memref<526336xf32, #tpu.memory_space<vmem_shared>> -> memref<32768xf32, #tpu.memory_space<vmem_shared>>
        %dma_wait3A_96 = arith.constant 427616 : i32
        %dma_wait3A_97 = tpu.memref_slice %arg5[%dma_wait3A_96] : memref<526336xf32, #tpu.memory_space<vmem_shared>> -> memref<32768xf32, #tpu.memory_space<vmem_shared>>
        %dma_wait3A_98 = arith.constant 0 : i32
        %dma_wait3A_99 = tpu.memref_slice %arg4[%dma_wait3A_98] : memref<32768xf32, #tpu.memory_space<vmem>> -> memref<32768xf32, #tpu.memory_space<vmem>>
        tpu.wait_dma2 semaphore(%run_scoped3A : memref<!tpu.dma_semaphore, #tpu.memory_space<semaphore_mem>>) src(%dma_wait3A_99 : memref<32768xf32, #tpu.memory_space<vmem>>) dst(%dma_wait3A_97 : memref<32768xf32, #tpu.memory_space<vmem_shared>>)
        tpu.yield
      }) : () -> ()
    } else {
    }
    %eq3A_68 = arith.constant 14 : i32
    %eq3A_69 = arith.cmpi eq, %arg1, %eq3A_68 : i32
    %convert_element_type3A_70 = arith.extui %eq3A_69 : i1 to i32
    %cond3A_71 = arith.constant 0 : i32
    %cond3A_72 = arith.cmpi ne, %convert_element_type3A_70, %cond3A_71 : i32
    scf.if %cond3A_72 {
      "tpu.region"() ({
        %run_scoped3A = tpu.sem_alloc : memref<!tpu.dma_semaphore, #tpu.memory_space<semaphore_mem>>
        %dma_start3A = arith.constant 0 : i32
        %dma_start3A_86 = tpu.memref_slice %arg4[%dma_start3A] : memref<32768xf32, #tpu.memory_space<vmem>> -> memref<32736xf32, #tpu.memory_space<vmem>>
        %dma_start3A_87 = arith.constant 65568 : i32
        %dma_start3A_88 = tpu.memref_slice %arg2[%dma_start3A_87] : memref<131072xf32, #tpu.memory_space<hbm>> -> memref<32736xf32, #tpu.memory_space<hbm>>
        %dma_start3A_89 = arith.constant 0 : i32
        %dma_start3A_90 = tpu.memref_slice %arg4[%dma_start3A_89] : memref<32768xf32, #tpu.memory_space<vmem>> -> memref<32736xf32, #tpu.memory_space<vmem>>
        %dma_start3A_91 = arith.constant 65568 : i32
        %dma_start3A_92 = tpu.memref_slice %arg2[%dma_start3A_91] : memref<131072xf32, #tpu.memory_space<hbm>> -> memref<32736xf32, #tpu.memory_space<hbm>>
        tpu.enqueue_dma source(%dma_start3A_92 : memref<32736xf32, #tpu.memory_space<hbm>>) target(%dma_start3A_90 : memref<32736xf32, #tpu.memory_space<vmem>>) target_semaphore(%run_scoped3A : memref<!tpu.dma_semaphore, #tpu.memory_space<semaphore_mem>>)
        %dma_wait3A = arith.constant 0 : i32
        %dma_wait3A_93 = tpu.memref_slice %arg4[%dma_wait3A] : memref<32768xf32, #tpu.memory_space<vmem>> -> memref<32736xf32, #tpu.memory_space<vmem>>
        %dma_wait3A_94 = arith.constant 65568 : i32
        %dma_wait3A_95 = tpu.memref_slice %arg2[%dma_wait3A_94] : memref<131072xf32, #tpu.memory_space<hbm>> -> memref<32736xf32, #tpu.memory_space<hbm>>
        %dma_wait3A_96 = arith.constant 0 : i32
        %dma_wait3A_97 = tpu.memref_slice %arg4[%dma_wait3A_96] : memref<32768xf32, #tpu.memory_space<vmem>> -> memref<32736xf32, #tpu.memory_space<vmem>>
        %dma_wait3A_98 = arith.constant 65568 : i32
        %dma_wait3A_99 = tpu.memref_slice %arg2[%dma_wait3A_98] : memref<131072xf32, #tpu.memory_space<hbm>> -> memref<32736xf32, #tpu.memory_space<hbm>>
        tpu.wait_dma2 semaphore(%run_scoped3A : memref<!tpu.dma_semaphore, #tpu.memory_space<semaphore_mem>>) src(%dma_wait3A_99 : memref<32736xf32, #tpu.memory_space<hbm>>) dst(%dma_wait3A_97 : memref<32736xf32, #tpu.memory_space<vmem>>)
        tpu.yield
      }) : () -> ()
      "tpu.region"() ({
        %run_scoped3A = tpu.sem_alloc : memref<!tpu.dma_semaphore, #tpu.memory_space<semaphore_mem>>
        %dma_start3A = arith.constant 0 : i32
        %dma_start3A_86 = tpu.memref_slice %arg4[%dma_start3A] : memref<32768xf32, #tpu.memory_space<vmem>> -> memref<32736xf32, #tpu.memory_space<vmem>>
        %dma_start3A_87 = arith.constant 460384 : i32
        %dma_start3A_88 = tpu.memref_slice %arg5[%dma_start3A_87] : memref<526336xf32, #tpu.memory_space<vmem_shared>> -> memref<32736xf32, #tpu.memory_space<vmem_shared>>
        %dma_start3A_89 = arith.constant 460384 : i32
        %dma_start3A_90 = tpu.memref_slice %arg5[%dma_start3A_89] : memref<526336xf32, #tpu.memory_space<vmem_shared>> -> memref<32736xf32, #tpu.memory_space<vmem_shared>>
        %dma_start3A_91 = arith.constant 0 : i32
        %dma_start3A_92 = tpu.memref_slice %arg4[%dma_start3A_91] : memref<32768xf32, #tpu.memory_space<vmem>> -> memref<32736xf32, #tpu.memory_space<vmem>>
        tpu.enqueue_dma source(%dma_start3A_92 : memref<32736xf32, #tpu.memory_space<vmem>>) target(%dma_start3A_90 : memref<32736xf32, #tpu.memory_space<vmem_shared>>) target_semaphore(%run_scoped3A : memref<!tpu.dma_semaphore, #tpu.memory_space<semaphore_mem>>)
        %dma_wait3A = arith.constant 0 : i32
        %dma_wait3A_93 = tpu.memref_slice %arg4[%dma_wait3A] : memref<32768xf32, #tpu.memory_space<vmem>> -> memref<32736xf32, #tpu.memory_space<vmem>>
        %dma_wait3A_94 = arith.constant 460384 : i32
        %dma_wait3A_95 = tpu.memref_slice %arg5[%dma_wait3A_94] : memref<526336xf32, #tpu.memory_space<vmem_shared>> -> memref<32736xf32, #tpu.memory_space<vmem_shared>>
        %dma_wait3A_96 = arith.constant 460384 : i32
        %dma_wait3A_97 = tpu.memref_slice %arg5[%dma_wait3A_96] : memref<526336xf32, #tpu.memory_space<vmem_shared>> -> memref<32736xf32, #tpu.memory_space<vmem_shared>>
        %dma_wait3A_98 = arith.constant 0 : i32
        %dma_wait3A_99 = tpu.memref_slice %arg4[%dma_wait3A_98] : memref<32768xf32, #tpu.memory_space<vmem>> -> memref<32736xf32, #tpu.memory_space<vmem>>
        tpu.wait_dma2 semaphore(%run_scoped3A : memref<!tpu.dma_semaphore, #tpu.memory_space<semaphore_mem>>) src(%dma_wait3A_99 : memref<32736xf32, #tpu.memory_space<vmem>>) dst(%dma_wait3A_97 : memref<32736xf32, #tpu.memory_space<vmem_shared>>)
        tpu.yield
      }) : () -> ()
    } else {
    }
    %eq3A_73 = arith.constant 15 : i32
    %eq3A_74 = arith.cmpi eq, %arg1, %eq3A_73 : i32
    %convert_element_type3A_75 = arith.extui %eq3A_74 : i1 to i32
    %cond3A_76 = arith.constant 0 : i32
    %cond3A_77 = arith.cmpi ne, %convert_element_type3A_75, %cond3A_76 : i32
    scf.if %cond3A_77 {
      "tpu.region"() ({
        %run_scoped3A = tpu.sem_alloc : memref<!tpu.dma_semaphore, #tpu.memory_space<semaphore_mem>>
        %dma_start3A = arith.constant 0 : i32
        %dma_start3A_86 = tpu.memref_slice %arg4[%dma_start3A] : memref<32768xf32, #tpu.memory_space<vmem>> -> memref<32768xf32, #tpu.memory_space<vmem>>
        %dma_start3A_87 = arith.constant 98304 : i32
        %dma_start3A_88 = tpu.memref_slice %arg2[%dma_start3A_87] : memref<131072xf32, #tpu.memory_space<hbm>> -> memref<32768xf32, #tpu.memory_space<hbm>>
        %dma_start3A_89 = arith.constant 0 : i32
        %dma_start3A_90 = tpu.memref_slice %arg4[%dma_start3A_89] : memref<32768xf32, #tpu.memory_space<vmem>> -> memref<32768xf32, #tpu.memory_space<vmem>>
        %dma_start3A_91 = arith.constant 98304 : i32
        %dma_start3A_92 = tpu.memref_slice %arg2[%dma_start3A_91] : memref<131072xf32, #tpu.memory_space<hbm>> -> memref<32768xf32, #tpu.memory_space<hbm>>
        tpu.enqueue_dma source(%dma_start3A_92 : memref<32768xf32, #tpu.memory_space<hbm>>) target(%dma_start3A_90 : memref<32768xf32, #tpu.memory_space<vmem>>) target_semaphore(%run_scoped3A : memref<!tpu.dma_semaphore, #tpu.memory_space<semaphore_mem>>)
        %dma_wait3A = arith.constant 0 : i32
        %dma_wait3A_93 = tpu.memref_slice %arg4[%dma_wait3A] : memref<32768xf32, #tpu.memory_space<vmem>> -> memref<32768xf32, #tpu.memory_space<vmem>>
        %dma_wait3A_94 = arith.constant 98304 : i32
        %dma_wait3A_95 = tpu.memref_slice %arg2[%dma_wait3A_94] : memref<131072xf32, #tpu.memory_space<hbm>> -> memref<32768xf32, #tpu.memory_space<hbm>>
        %dma_wait3A_96 = arith.constant 0 : i32
        %dma_wait3A_97 = tpu.memref_slice %arg4[%dma_wait3A_96] : memref<32768xf32, #tpu.memory_space<vmem>> -> memref<32768xf32, #tpu.memory_space<vmem>>
        %dma_wait3A_98 = arith.constant 98304 : i32
        %dma_wait3A_99 = tpu.memref_slice %arg2[%dma_wait3A_98] : memref<131072xf32, #tpu.memory_space<hbm>> -> memref<32768xf32, #tpu.memory_space<hbm>>
        tpu.wait_dma2 semaphore(%run_scoped3A : memref<!tpu.dma_semaphore, #tpu.memory_space<semaphore_mem>>) src(%dma_wait3A_99 : memref<32768xf32, #tpu.memory_space<hbm>>) dst(%dma_wait3A_97 : memref<32768xf32, #tpu.memory_space<vmem>>)
        tpu.yield
      }) : () -> ()
      "tpu.region"() ({
        %run_scoped3A = tpu.sem_alloc : memref<!tpu.dma_semaphore, #tpu.memory_space<semaphore_mem>>
        %dma_start3A = arith.constant 0 : i32
        %dma_start3A_86 = tpu.memref_slice %arg4[%dma_start3A] : memref<32768xf32, #tpu.memory_space<vmem>> -> memref<32768xf32, #tpu.memory_space<vmem>>
        %dma_start3A_87 = arith.constant 493120 : i32
        %dma_start3A_88 = tpu.memref_slice %arg5[%dma_start3A_87] : memref<526336xf32, #tpu.memory_space<vmem_shared>> -> memref<32768xf32, #tpu.memory_space<vmem_shared>>
        %dma_start3A_89 = arith.constant 493120 : i32
        %dma_start3A_90 = tpu.memref_slice %arg5[%dma_start3A_89] : memref<526336xf32, #tpu.memory_space<vmem_shared>> -> memref<32768xf32, #tpu.memory_space<vmem_shared>>
        %dma_start3A_91 = arith.constant 0 : i32
        %dma_start3A_92 = tpu.memref_slice %arg4[%dma_start3A_91] : memref<32768xf32, #tpu.memory_space<vmem>> -> memref<32768xf32, #tpu.memory_space<vmem>>
        tpu.enqueue_dma source(%dma_start3A_92 : memref<32768xf32, #tpu.memory_space<vmem>>) target(%dma_start3A_90 : memref<32768xf32, #tpu.memory_space<vmem_shared>>) target_semaphore(%run_scoped3A : memref<!tpu.dma_semaphore, #tpu.memory_space<semaphore_mem>>)
        %dma_wait3A = arith.constant 0 : i32
        %dma_wait3A_93 = tpu.memref_slice %arg4[%dma_wait3A] : memref<32768xf32, #tpu.memory_space<vmem>> -> memref<32768xf32, #tpu.memory_space<vmem>>
        %dma_wait3A_94 = arith.constant 493120 : i32
        %dma_wait3A_95 = tpu.memref_slice %arg5[%dma_wait3A_94] : memref<526336xf32, #tpu.memory_space<vmem_shared>> -> memref<32768xf32, #tpu.memory_space<vmem_shared>>
        %dma_wait3A_96 = arith.constant 493120 : i32
        %dma_wait3A_97 = tpu.memref_slice %arg5[%dma_wait3A_96] : memref<526336xf32, #tpu.memory_space<vmem_shared>> -> memref<32768xf32, #tpu.memory_space<vmem_shared>>
        %dma_wait3A_98 = arith.constant 0 : i32
        %dma_wait3A_99 = tpu.memref_slice %arg4[%dma_wait3A_98] : memref<32768xf32, #tpu.memory_space<vmem>> -> memref<32768xf32, #tpu.memory_space<vmem>>
        tpu.wait_dma2 semaphore(%run_scoped3A : memref<!tpu.dma_semaphore, #tpu.memory_space<semaphore_mem>>) src(%dma_wait3A_99 : memref<32768xf32, #tpu.memory_space<vmem>>) dst(%dma_wait3A_97 : memref<32768xf32, #tpu.memory_space<vmem_shared>>)
        tpu.yield
      }) : () -> ()
    } else {
    }
    %barrier3A = arith.constant 0 : index
    tpu.barrier barrier_id(%barrier3A)
    %mul3A_78 = arith.constant 64 : i32
    %mul3A_79 = arith.muli %add3A, %mul3A_78 : i32
    %scan3A = arith.constant 0 : i32
    %scan3A_80 = arith.constant 0 : i32
    %scan3A_81 = arith.constant 8 : i32
    %scan3A_82 = arith.addi %scan3A_80, %scan3A_81 : i32
    %scan3A_83 = arith.constant 1 : i32
    %scan3A_84 = scf.for %scan3A_86 = %scan3A_80 to %scan3A_82 step %scan3A_83 iter_args(%scan3A_87 = %scan3A) -> (i32)  : i32 {
      %scan3A_88 = arith.constant 0 : i32
      %scan3A_89 = arith.constant 0 : i32
      %scan3A_90 = arith.constant 8 : i32
      %scan3A_91 = arith.addi %scan3A_89, %scan3A_90 : i32
      %scan3A_92 = arith.constant 1 : i32
      %scan3A_93 = scf.for %scan3A_103 = %scan3A_89 to %scan3A_91 step %scan3A_92 iter_args(%scan3A_104 = %scan3A_88) -> (i32)  : i32 {
        %mul3A_105 = arith.constant 8 : i32
        %mul3A_106 = arith.muli %scan3A_86, %mul3A_105 : i32
        %add3A_107 = arith.addi %mul3A_79, %mul3A_106 : i32
        %add3A_108 = arith.addi %add3A_107, %scan3A_103 : i32
        %add3A_109 = arith.constant 1 : i32
        %add3A_110 = arith.addi %add3A_108, %add3A_109 : i32
        %jit3A = arith.constant 4 : i32
        %eq3A_111 = arith.constant 0 : i32
        %eq3A_112 = arith.cmpi eq, %jit3A, %eq3A_111 : i32
        %jit3A_113 = arith.constant 1 : i32
        %select_n3A = arith.select %eq3A_112, %jit3A_113, %jit3A : i32
        %rem3A = arith.remsi %add3A_110, %select_n3A : i32
        %ne3A = arith.constant 0 : i32
        %ne3A_114 = arith.cmpi ne, %rem3A, %ne3A : i32
        %lt3A = arith.constant 0 : i32
        %lt3A_115 = arith.cmpi slt, %rem3A, %lt3A : i32
        %lt3A_116 = arith.constant 0 : i32
        %lt3A_117 = arith.cmpi slt, %select_n3A, %lt3A_116 : i32
        %ne3A_118 = arith.xori %lt3A_115, %lt3A_117 : i1
        %and3A = arith.andi %ne3A_118, %ne3A_114 : i1
        %add3A_119 = arith.addi %rem3A, %select_n3A : i32
        %select_n3A_120 = arith.select %and3A, %add3A_119, %rem3A : i32
        %sub3A = arith.constant 2047 : i32
        %sub3A_121 = arith.subi %sub3A, %add3A_108 : i32
        %add3A_122 = arith.addi %sub3A_121, %select_n3A_120 : i32
        %jit3A_123 = arith.constant 4 : i32
        %div3A = arith.divsi %add3A_122, %jit3A_123 : i32
        %sign3A = arith.constant 0 : i32
        %sign3A_124 = arith.cmpi sgt, %add3A_122, %sign3A : i32
        %sign3A_125 = arith.extui %sign3A_124 : i1 to i32
        %sign3A_126 = arith.constant 0 : i32
        %sign3A_127 = arith.cmpi slt, %add3A_122, %sign3A_126 : i32
        %sign3A_128 = arith.extui %sign3A_127 : i1 to i32
        %sign3A_129 = arith.subi %sign3A_125, %sign3A_128 : i32
        %sign3A_130 = arith.constant 0 : i32
        %sign3A_131 = arith.cmpi sgt, %jit3A_123, %sign3A_130 : i32
        %sign3A_132 = arith.extui %sign3A_131 : i1 to i32
        %sign3A_133 = arith.constant 0 : i32
        %sign3A_134 = arith.cmpi slt, %jit3A_123, %sign3A_133 : i32
        %sign3A_135 = arith.extui %sign3A_134 : i1 to i32
        %sign3A_136 = arith.subi %sign3A_132, %sign3A_135 : i32
        %ne3A_137 = arith.cmpi ne, %sign3A_129, %sign3A_136 : i32
        %rem3A_138 = arith.remsi %add3A_122, %jit3A_123 : i32
        %ne3A_139 = arith.constant 0 : i32
        %ne3A_140 = arith.cmpi ne, %rem3A_138, %ne3A_139 : i32
        %and3A_141 = arith.andi %ne3A_137, %ne3A_140 : i1
        %sub3A_142 = arith.constant 1 : i32
        %sub3A_143 = arith.subi %div3A, %sub3A_142 : i32
        %select_n3A_144 = arith.select %and3A_141, %sub3A_143, %div3A : i32
        %mul3A_145 = arith.constant 1028 : i32
        %mul3A_146 = arith.muli %select_n3A_120, %mul3A_145 : i32
        %add3A_147 = arith.addi %mul3A_146, %select_n3A_144 : i32
        %mul3A_148 = arith.constant 128 : i32
        %mul3A_149 = arith.muli %add3A_147, %mul3A_148 : i32
        %multiple_of3A = tpu.assume_multiple %mul3A_149, 128 : i32
        %mul3A_150 = arith.constant 65536 : i32
        %mul3A_151 = arith.muli %add3A_108, %mul3A_150 : i32
        %multiple_of3A_152 = tpu.assume_multiple %mul3A_151, 128 : i32
        %dma_start3A = tpu.memref_slice %arg3[%multiple_of3A_152] : memref<134217728xf32, #tpu.memory_space<hbm>> -> memref<65536xf32, #tpu.memory_space<hbm>>
        %dma_start3A_153 = tpu.memref_slice %arg5[%multiple_of3A] : memref<526336xf32, #tpu.memory_space<vmem_shared>> -> memref<65536xf32, #tpu.memory_space<vmem_shared>>
        tpu.enqueue_dma source(%dma_start3A_153 : memref<65536xf32, #tpu.memory_space<vmem_shared>>) target(%dma_start3A : memref<65536xf32, #tpu.memory_space<hbm>>) target_semaphore(%arg6 : memref<!tpu.dma_semaphore, #tpu.memory_space<semaphore_mem>>)
        %scan3A_154 = arith.constant 0 : i32
        scf.yield %scan3A_154 : i32
      }
      %scan3A_94 = arith.constant 8 : i32
      %scan3A_95 = arith.constant 0 : i32
      %scan3A_96 = arith.constant 0 : i32
      %scan3A_97 = arith.constant 8 : i32
      %scan3A_98 = arith.addi %scan3A_96, %scan3A_97 : i32
      %scan3A_99 = arith.constant 1 : i32
      %scan3A_100 = scf.for %scan3A_103 = %scan3A_96 to %scan3A_98 step %scan3A_99 iter_args(%scan3A_104 = %scan3A_95) -> (i32)  : i32 {
        %mul3A_105 = arith.constant 8 : i32
        %mul3A_106 = arith.muli %scan3A_86, %mul3A_105 : i32
        %add3A_107 = arith.addi %mul3A_79, %mul3A_106 : i32
        %add3A_108 = arith.addi %add3A_107, %scan3A_103 : i32
        %mul3A_109 = arith.constant 65536 : i32
        %mul3A_110 = arith.muli %add3A_108, %mul3A_109 : i32
        %multiple_of3A = tpu.assume_multiple %mul3A_110, 128 : i32
        %dma_wait3A = tpu.memref_slice %arg3[%multiple_of3A] : memref<134217728xf32, #tpu.memory_space<hbm>> -> memref<65536xf32, #tpu.memory_space<hbm>>
        %dma_wait3A_111 = arith.constant 0 : i32
        %dma_wait3A_112 = tpu.memref_slice %arg5[%dma_wait3A_111] : memref<526336xf32, #tpu.memory_space<vmem_shared>> -> memref<65536xf32, #tpu.memory_space<vmem_shared>>
        tpu.wait_dma2 semaphore(%arg6 : memref<!tpu.dma_semaphore, #tpu.memory_space<semaphore_mem>>) src(%dma_wait3A_112 : memref<65536xf32, #tpu.memory_space<vmem_shared>>) dst(%dma_wait3A : memref<65536xf32, #tpu.memory_space<hbm>>)
        %scan3A_113 = arith.constant 0 : i32
        scf.yield %scan3A_113 : i32
      }
      %scan3A_101 = arith.constant 8 : i32
      %scan3A_102 = arith.constant 0 : i32
      scf.yield %scan3A_102 : i32
    }
    %scan3A_85 = arith.constant 8 : i32
    return
  }
}

</mosaic_0001>

<sc_bundles>
// kernel: kernel.3.cloned.1.call-start
scs
__scs_entry_jumppad:
0x0: {  	(pc) =	sbr.rel $0x88, $3  }
0x1: {  	(tag) =	ssettag $0x0;
	lr =	simm.s32 $0x1  }
0x2: {  	[smem:$0x3FA0] =	sst lr;
	_ =	strace $0xD0000000  }
0x3: {  	_ = 	snop  }
0x4: {  	_ = 	snop  }
0x5: {  	_ = 	snop  }
0x6: {  	_ = 	snop  }
0x7: {  	_ = 	snop  }
__scs_overlays_trampoline_lowered:
0x8: {  	[smem:$0x3FAF] =	sst s0  }
0x9: {  	[smem:$0x3FB0] =	sst s1  }
0xa: {  	[smem:$0x3FB1] =	sst s2  }
0xb: {  	[smem:$0x3FB2] =	sst s3  }
0xc: {  	[smem:$0x3FB3] =	sst s4  }
0xd: {  	[smem:$0x3FB4] =	sst s5  }
0xe: {  	[smem:$0x3FB5] =	sst s6  }
0xf: {  	[smem:$0x3FB6] =	sst s7  }
0x10: {  	[smem:$0x3FB7] =	sst s8  }
0x11: {  	[smem:$0x3FB8] =	sst s9;
	s0 =	simm.s32 @!p0 $0x0  }
0x12: {  	s1 =	sld [smem:$0x3F9E];
	s0 =	simm.s32 @p0 $0x1  }
0x13: {  	[smem:$0x3FB9] =	sst s0;
	s0 =	simm.s32 @!p1 $0x0  }
0x14: {  	s2 =	sld [smem:$0x3F9D];
	s0 =	simm.s32 @p1 $0x1  }
0x15: {  	[smem:$0x3FBA] =	sst s0;
	s0 =	simm.s32 @!p2 $0x0  }
0x16: {  	s3 =	sld [smem:$0x3FDB];
	s0 =	simm.s32 @p2 $0x1  }
0x17: {  	s4 =	simm.s32 $0x1BF5;
	[smem:$0x3FBC] =	sst s0  }
0x18: {  	s0 =	sld [smem:$0x3F9F];
	_ =	swait.ge [sflag:s4], $0x0  }
0x19: {  	s7 =	sld [smem:$0x3FA0]  }
0x1a: {  	s8 =	sadd.s32 $0xFFFFE003, lr  }
0x1b: {  	s9 =	sadd.s32 $0xFFFFFEF7, lr;
	s5 =	simm.s32 $0xFFFFFFFF;
	p2 =	slt.u32 s8, $0xFFFFF086  }
0x1c: {  	p1 =	slt.u32 s9, $0xF7A;
	s5 =	simm.s32 @!p2 $0x0  }
0x1d: {  	s5 =	simm.s32 @p1 $0x1;
	p0 =	seq.s32 s7, s2  }
0x1e: {  	s7 =	smul.u32 @!p0 $0xF7A, s2;
	p2 =	seq.s32 @!p0 s5, $0x0  }
0x1f: {  	s9 =	smul.u32 $0xF7A, s1;
	s8 =	simm.s32 @!p0 $0x1BF5;
	p2 =	por !p2, p0  }
0x20: {  	[sflag:s8] =	ssyncset.s32 @!p0 $0xFFFFF086;
	s6 =	sadd.s32 @!p0 s3, s7;
	s7 =	simm.s32 @!p0 $0x108  }
0x21: {  	s3 =	sadd.s32 s3, s9;
	s6 =	sadd.s32 @!p0 $0x88, s6;
	s7 =	simm.s32 @p2 $0x1082  }
0x22: {  	[simem:s7], [sflag:s8] =	dma.local @!p0 [hbm:s6], $0xF7A  }
0x23: {  	s9 =	sor.u32 $0xD0000000, s2;
	s6 =	simm.s32 $0x108;
	_ =	swait.ge @!p0 [sflag:s8], $0x0  }
0x24: {  	s3 =	sadd.s32 $0x88, s3;
	s6 =	simm.s32 @!p1 $0x1082;
	[sflag:s4] =	ssyncset.s32 $0xFFFFF086  }
0x25: {  	[simem:s6], [sflag:s4] =	dma.local [hbm:s3], $0xF7A  }
0x26: {  	[smem:$0x3FA0] =	sst s1;
	(tag) =	ssettag s2;
	_ =	strace s9  }
0x27: {  	s1 =	sld [smem:$0x3FB0]  }
0x28: {  	s2 =	sld [smem:$0x3FB1]  }
0x29: {  	s4 =	sld [smem:$0x3FB3]  }
0x2a: {  	p0 =	seq.s32 s5, $0x0;
	s5 =	sld [smem:$0x3FB4]  }
0x2b: {  	s6 =	sld [smem:$0x3FB5]  }
0x2c: {  	s7 =	sld [smem:$0x3FB6]  }
0x2d: {  	s3 =	simm.s32 $0x108;
	s8 =	sld [smem:$0x3FB7]  }
0x2e: {  	s3 =	simm.s32 @!p0 $0x1082;
	s9 =	sld [smem:$0x3FB8]  }
0x2f: {  	lr =	sadd.s32 s0, s3;
	s0 =	sld [smem:$0x3FAF]  }
0x30: {  	s3 =	sld [smem:$0x3FB2]  }
0x31: {  	[smem:$0x3FBB] =	sst s10  }
0x32: {  	s10 =	sld [smem:$0x3FB9];
	_ =	sdelay $0x3  }
0x33: {  	p0 =	seq.s32 s10, $0x1;
	s10 =	sld [smem:$0x3FBB];
	_ =	sdelay $0x3  }
0x34: {  	[smem:$0x3FBB] =	sst s10  }
0x35: {  	s10 =	sld [smem:$0x3FBA];
	_ =	sdelay $0x3  }
0x36: {  	p1 =	seq.s32 s10, $0x1;
	s10 =	sld [smem:$0x3FBB];
	_ =	sdelay $0x3  }
0x37: {  	[smem:$0x3FBB] =	sst s10  }
0x38: {  	s10 =	sld [smem:$0x3FBC]  }
0x39: {  	_ = 	snop;
	(pc) =	sbr.ind lr, $3  }
0x3a: {  	_ = 	snop  }
0x3b: {  	_ = 	snop  }
0x3c: {  	p2 =	seq.s32 s10, $0x1;
	s10 =	sld [smem:$0x3FBB]  }
0x3d: {  	_ =	shalt  }
0x3e: {  	_ =	shalt  }
0x3f: {  	_ =	shalt  }
0x40: {  	_ =	shalt  }
0x41: {  	_ =	shalt  }
0x42: {  	_ =	shalt  }
0x43: {  	_ =	shalt  }
0x44: {  	_ =	shalt  }
0x45: {  	_ =	shalt  }
0x46: {  	_ =	shalt  }
0x47: {  	_ =	shalt  }
0x48: {  	_ =	shalt  }
0x49: {  	_ =	shalt  }
0x4a: {  	_ =	shalt  }
0x4b: {  	_ =	shalt  }
0x4c: {  	_ =	shalt  }
0x4d: {  	_ =	shalt  }
0x4e: {  	_ =	shalt  }
0x4f: {  	_ =	shalt  }
0x50: {  	_ =	shalt  }
0x51: {  	_ =	shalt  }
0x52: {  	_ =	shalt  }
0x53: {  	_ =	shalt  }
0x54: {  	_ =	shalt  }
0x55: {  	_ =	shalt  }
0x56: {  	_ =	shalt  }
0x57: {  	_ =	shalt  }
0x58: {  	_ =	shalt  }
0x59: {  	_ =	shalt  }
0x5a: {  	_ =	shalt  }
0x5b: {  	_ =	shalt  }
0x5c: {  	_ =	shalt  }
0x5d: {  	_ =	shalt  }
0x5e: {  	_ =	shalt  }
0x5f: {  	_ =	shalt  }
0x60: {  	_ =	shalt  }
0x61: {  	_ =	shalt  }
0x62: {  	_ =	shalt  }
0x63: {  	_ =	shalt  }
0x64: {  	_ =	shalt  }
0x65: {  	_ =	shalt  }
0x66: {  	_ =	shalt  }
0x67: {  	_ =	shalt  }
0x68: {  	_ =	shalt  }
0x69: {  	_ =	shalt  }
0x6a: {  	_ =	shalt  }
0x6b: {  	_ =	shalt  }
0x6c: {  	_ =	shalt  }
0x6d: {  	_ =	shalt  }
0x6e: {  	_ =	shalt  }
0x6f: {  	_ =	shalt  }
0x70: {  	_ =	shalt  }
0x71: {  	_ =	shalt  }
0x72: {  	_ =	shalt  }
0x73: {  	_ =	shalt  }
0x74: {  	_ =	shalt  }
0x75: {  	_ =	shalt  }
0x76: {  	_ =	shalt  }
0x77: {  	_ =	shalt  }
0x78: {  	_ =	shalt  }
0x79: {  	_ =	shalt  }
0x7a: {  	_ =	shalt  }
0x7b: {  	_ =	shalt  }
0x7c: {  	_ =	shalt  }
0x7d: {  	_ =	shalt  }
0x7e: {  	_ =	shalt  }
0x7f: {  	_ =	shalt  }
0x80: {  	_ =	shalt  }
0x81: {  	_ =	shalt  }
0x82: {  	_ =	shalt  }
0x83: {  	_ =	shalt  }
0x84: {  	_ =	shalt  }
0x85: {  	_ =	shalt  }
0x86: {  	_ =	shalt  }
0x87: {  	_ =	shalt  }
.Lfunc_end0:
.L_simem_size_0:
called_computation.1_lowered:
.L_overlay_start_0:
0x88: {  	s2 =	sld [smem:$0x3FD9]  }
0x89: {  	s3 =	sld [smem:$0x3FFE];
	_ =	sdelay $0x1  }
0x8a: {  	s1 =	srdreg.scid  }
0x8b: {  	s0 =	sand.u32 $0x1, s1  }
0x8c: {  	s17 =	sshll.u32 s0, $0xA;
	s2 =	sadd.s32 s3, s2  }
0x8d: {  	s2 =	sadd.s32 s2, s17  }
0x8e: {  	[smem:$0x3FC7] =	sst s2  }
0x8f: {  	_ = 	snop  }
0x90: {  	s2 =	sld [smem:$0x3FD0];
	(tm) =	ssettm $0x1  }
0x91: {  	s18 =	sld [smem:$0x3FFB];
	_ =	sdelay $0x3  }
0x92: {  	_ =	strace s18  }
0x93: {  	s3 =	sld [smem:$0x3FFC];
	_ =	sdelay $0x3  }
0x94: {  	_ =	strace s3  }
0x95: {  	s3 =	sld [smem:$0x3FFD];
	_ =	sdelay $0x3  }
0x96: {  	_ =	strace s3  }
0x97: {  	_ =	strace $0x8FFFFFFF  }
0x98: {  	s19 =	sld [smem:$0x3FDB];
	_ =	sdelay $0x1  }
0x99: {  	s4 =	simm.s32 $_scs_section_size  }
0x9a: {  	s5 =	simm.s32 $_size__tile_overlayer_lowered;
	s6 =	simm.s32 $_tile_overlayer_lowered  }
0x9b: {  	s22 =	simm.s32 $0x1BFF;
	s21 =	sshll.u32 s6, $0x1;
	s3 =	sadd.s32 s4, s19  }
0x9c: {  	s7 =	simm.s32 $0x0;
	s20 =	sshll.u32 s5, $0x1;
	s5 =	sadd.s32 s21, s3  }
0x9d: {  	[timem:s7], [sflag:s22] =	dma.local [hbm:s5], s20  }
0x9e: {  	_ =	swait.ge [sflag:s22], s20  }
0x9f: {  	s4 =	ssub.s32 $0x0, s20;
	[sflag:s22] =	ssyncset.done $0x0  }
0xa0: {  	[sflag:s22] =	ssyncadd.s32 s4;
	_ =	sdelay $0x1  }
0xa1: {  	s23 =	simm.s32 $0x1B8B  }
0xa2: {  	_ =	swait.ge [sflag:s23], $0x1  }
0xa3: {  	[sflag:s23] =	ssyncset.done $0x0  }
0xa4: {  	s25 =	simm.s32 $0x1B8E;
	s24 =	sld [smem:$0x3FFE];
	[sflag:s23] =	ssyncadd.s32 $0xFFFFFFFF  }
0xa5: {  	s26 =	simm.s32 $execute0_lowered;
	[smem:$0x3FD2] =	sst s25  }
0xa6: {  	s5 =	sshll.u32 s26, $0x1;
	_ =	strace $0x80000046;
	[dreg:$0x1] =	wrdreg $0xFFFFFFFF  }
0xa7: {  	s28 =	simm.s32 $_size_execute0_lowered;
	s3 =	sadd.s32 s3, s5;
	[dreg:$0x0] =	wrdreg $0x0  }
0xa8: {  	s5 =	sshll.u32 s28, $0x1;
	[dreg:$0x2] =	wrdreg s3  }
0xa9: {  	[dreg:$0x3] =	wrdreg s5  }
0xaa: {  	[dreg:$0x4] =	wrdreg $0xC0  }
0xab: {  	_ =	task [dreg:s7], $0x5FFFF  }
0xac: {  	[dreg:$0x1] =	wrdreg $0xFFFFFFFF  }
0xad: {  	[dreg:$0x0] =	wrdreg $0x60  }
0xae: {  	[dreg:$0x2] =	wrdreg s24  }
0xaf: {  	[dreg:$0x3] =	wrdreg s2  }
0xb0: {  	[dreg:$0x4] =	wrdreg $0x80000  }
0xb1: {  	[dreg:$0x5] =	wrdreg $0x9  }
0xb2: {  	_ =	task.clear_ibuf [dreg:s7], $0x6FFFF;
	_ =	strace $0x90000046  }
0xb3: {  	s29 =	simm.s32 $0x9;
	_ =	strace $0x80000048  }
0xb4: {  	_ =	swait.ge [sflag:s29], $0x1  }
0xb5: {  	[sflag:s29] =	ssyncadd.s32 $0xFFFFFFFF  }
0xb6: {  	_ =	strace $0x90000048  }
0xb7: {  	_ =	sfence  }
0xb8: {  	s30 =	sld [smem:$0x0];
	_ =	sdelay $0x2  }
0xb9: {  	s31 =	sshll.u32 s1, $0xD;
	s1 =	sshrl.u32 s1, $0x2  }
0xba: {  	s3 =	sand.u32 $0x4000, s31;
	s1 =	sadd.s32 s1, s30  }
0xbb: {  	s0 =	sor.u32 s3, s0;
	s1 =	sshll.u32 s1, $0x11  }
0xbc: {  	s0 =	sor.u32 s1, s0  }
0xbd: {  	s0 =	sadd.s32 $0x8F2B, s0  }
0xbe: {  	[sflag:s0] =	ssyncadd.remote.s32 $0x1  }
0xbf: {  	_ =	sfence.sel $0xFFFF  }
0xc0: {  	[dreg:$0x0] =	wrdreg $0xFFFFFFFF;
	(pc) =	sbr.abs _section_cstart, $3  }
0xc1: {  	[dreg:$0x1] =	wrdreg $0xFFFFFFFF  }
0xc2: {  	_ =	task.clear_ibuf [dreg:s7], $0x2FFFF;
	_ =	strace $0x9FFFFFFF  }
0xc3: {  	(tm) =	ssettm $0x7FFFFFFF  }
tec
execute0_lowered:
.L_overlay_start_1:
0x0: {  	(tag) =	ssettag $0x1  }
0x1: {  	s0 =	stileid.u32  }
0x2: {  	p0 =	sgt.s32 s0, $0x1  }
0x3: {  	p1 =	seq.s32 @p0 s0, $0x2  }
0x4: {  	p2 =	por !p1, !p0  }
0x5: {  	s1 =	simm.s32 @!p2 $0x0  }
0x6: {  	p1 =	por p1, !p0;
	s1 =	simm.s32 @p2 $0x1  }
0x7: {  	p2 =	seq.s32 @!p0 s0, $0x0;
	[smem:$0x7EF] =	sst s1;
	s1 =	simm.s32 @!p1 $0x0  }
0x8: {  	s1 =	simm.s32 @p1 $0x1;
	p1 =	por !p2, p0  }
0x9: {  	[smem:$0x7F0] =	sst s1;
	s1 =	simm.s32 @!p1 $0x0  }
0xa: {  	p3 =	sgt.s32 s0, $0x5;
	p0 =	por p2, p0;
	s1 =	simm.s32 @p1 $0x1  }
0xb: {  	p1 =	seq.s32 @p3 s0, $0x6;
	[smem:$0x7F1] =	sst s1;
	s1 =	simm.s32 @!p0 $0x0  }
0xc: {  	s1 =	simm.s32 @p0 $0x1;
	p0 =	por !p1, !p3  }
0xd: {  	[smem:$0x7F2] =	sst s1;
	s1 =	simm.s32 @!p0 $0x0  }
0xe: {  	p1 =	por p1, !p3;
	s1 =	simm.s32 @p0 $0x1  }
0xf: {  	p0 =	seq.s32 @!p3 s0, $0x4;
	[smem:$0x7F3] =	sst s1;
	s1 =	simm.s32 @!p1 $0x0  }
0x10: {  	s1 =	simm.s32 @p1 $0x1;
	p1 =	por !p0, p3  }
0x11: {  	[smem:$0x7F4] =	sst s1;
	s1 =	simm.s32 @!p1 $0x0  }
0x12: {  	s2 =	rddreg [dreg:$0x0];
	p0 =	por p0, p3;
	s1 =	simm.s32 @p1 $0x1  }
0x13: {  	p1 =	sgt.s32 s0, $0x9;
	[smem:$0x7F5] =	sst s1;
	s1 =	simm.s32 @!p0 $0x0  }
0x14: {  	s6 =	rddreg [dreg:$0x1];
	s1 =	simm.s32 @p0 $0x1;
	p0 =	seq.s32 @p1 s0, $0xA  }
0x15: {  	s4 =	srdreg.scid;
	s28 =	simm.s32 $0x1;
	p2 =	por !p0, !p1  }
0x16: {  	s8 =	sand.u32 $0x1, s4;
	s4 =	sadd.s32 $0x800, s2;
	s3 =	simm.s32 @!p2 $0x0  }
0x17: {  	s30 =	sshll.u32 s0, $0x14;
	p0 =	por p0, !p1;
	s3 =	simm.s32 @p2 $0x1  }
0x18: {  	s11 =	sshll.u32 s0, $0x7;
	[smem:$0x7F7] =	sst s3;
	s3 =	simm.s32 @!p0 $0x0  }
0x19: {  	s5 =	ssub.s32 $0x2, s8;
	s3 =	simm.s32 @p0 $0x1;
	p0 =	seq.s32 @!p1 s0, $0x8  }
0x1a: {  	s31 =	sshll.u32 s8, $0x6;
	s8 =	sshll.u32 s8, $0x13;
	p2 =	por !p0, p1  }
0x1b: {  	s7 =	sshrl.u32 s5, $0x1;
	[smem:$0x7F8] =	sst s3;
	s3 =	simm.s32 @!p2 $0x0  }
0x1c: {  	[smem:$0x7F6] =	sst s1;
	p0 =	por p0, p1;
	s3 =	simm.s32 @p2 $0x1  }
0x1d: {  	s10 =	ssub.s32 s5, s7;
	[smem:$0x7F9] =	sst s3;
	s3 =	simm.s32 @!p0 $0x0  }
0x1e: {  	s5 =	sadd.s32 $0x3800, s2;
	s1 =	rddreg [dreg:$0x2];
	s3 =	simm.s32 @p0 $0x1  }
0x1f: {  	s7 =	sadd.s32 $0x2804, s2;
	[smem:$0x7FA] =	sst s3;
	s3 =	simm.s32 $0x0  }
0x20: {  	s18 =	sadd.s32 $0x78640, s1;
	s9 =	sadd.s32 $0x70660, s1;
	[smem:$0x7FF] =	sst s3  }
0x21: {  	s19 =	sadd.s32 $0x68660, s1;
	_ =	strace $0x80000047;
	[dreg:$0x4] =	wrdreg s18  }
0x22: {  	s20 =	sadd.s32 $0x60660, s1;
	s21 =	sadd.s32 $0x58420, s1;
	[dreg:$0x5] =	wrdreg s9  }
0x23: {  	s22 =	sadd.s32 $0x50440, s1;
	s23 =	sadd.s32 $0x48440, s1;
	[dreg:$0x6] =	wrdreg s19  }
0x24: {  	s24 =	sadd.s32 $0x40440, s1;
	s25 =	sadd.s32 $0x38200, s1;
	[dreg:$0x7] =	wrdreg s20  }
0x25: {  	s26 =	sadd.s32 $0x30220, s1;
	p1 =	sgt.s32 s0, $0xD;
	[dreg:$0x8] =	wrdreg s21  }
0x26: {  	s29 =	sadd.s32 $0x28220, s1;
	p0 =	seq.s32 @p1 s0, $0xE;
	[dreg:$0x9] =	wrdreg s22  }
0x27: {  	p2 =	seq.s32 @!p1 s0, $0xC;
	p5 =	por !p0, !p1;
	[dreg:$0xa] =	wrdreg s23  }
0x28: {  	p6 =	por p0, !p1;
	p0 =	por !p2, p1;
	[dreg:$0xb] =	wrdreg s24  }
0x29: {  	p1 =	por p2, p1;
	p2 =	sgt.s32 s0, $0x7;
	[dreg:$0xc] =	wrdreg s25  }
0x2a: {  	s9 =	sadd.s32 $0x1800, s2;
	[dreg:$0xd] =	wrdreg s26;
	s2 =	sadd.s32 s30, s6  }
0x2b: {  	s22 =	smax.u32 s10, $0x1;
	s10 =	sadd.s32 s8, s2;
	s2 =	simm.s32 @!p2 $0x0  }
0x2c: {  	[dreg:$0xe] =	wrdreg s29;
	s2 =	simm.s32 @p2 $0x1;
	p2 =	sgt.s32 s0, $0x3  }
0x2d: {  	s19 =	sadd.s32 $0x20220, s1;
	[smem:$0x7FB] =	sst s2;
	s2 =	simm.s32 @!p2 $0x0  }
0x2e: {  	s20 =	sadd.s32 $0x17FE0, s1;
	s2 =	simm.s32 @p2 $0x1;
	p2 =	sgt.s32 s0, $0xB  }
0x2f: {  	s6 =	sor.u32 s11, s31;
	[smem:$0x7FC] =	sst s2;
	s2 =	simm.s32 @!p2 $0x0  }
0x30: {  	s21 =	sadd.s32 $0x10000, s1;
	s26 =	sadd.s32 $0x8000, s1;
	s2 =	simm.s32 @p2 $0x1  }
0x31: {  	s24 =	ssub.s32 $0x0, s6;
	s25 =	sxor.u32 $0x7FF, s6;
	[smem:$0x7FD] =	sst s2  }
.LBB2_1:
0x32: {  	s2 =	sld [smem:$0x7FB];
	_ =	sdelay $0x2  }
0x33: {  	p2 =	seq.s32 s2, $0x1  }
.Ltmp0:
0x34: {  	_ = 	snop;
	(pc) =	sbr.rel @p2 .LBB2_5-.Ltmp0, $1  }
0x35: {  	_ =	sdelay $0x3  }
0x36: {  	s2 =	sld [smem:$0x7FC];
	_ =	sdelay $0x2  }
0x37: {  	p2 =	seq.s32 s2, $0x1  }
.Ltmp1:
0x38: {  	_ = 	snop;
	(pc) =	sbr.rel @p2 .LBB2_4-.Ltmp1, $1  }
0x39: {  	_ =	sdelay $0x3  }
0x3a: {  	s2 =	sld [smem:$0x7EF];
	_ =	sdelay $0x2  }
0x3b: {  	p2 =	seq.s32 s2, $0x1  }
0x3c: {  	s2 =	simm.s32 @!p2 $0x0;
	s6 =	simm.s32 @!p2 $0x2  }
0x3d: {  	[tilespmem:s2], [sflag:$0x2] =	stream.linear.gather @!p2 [hbm4b:s7+s2], $0x7FE0, $0x38;
	[tilespmem:$0x10080] =	vst v63  }
0x3e: {  	_ =	swait.ge @!p2 [sflag:s6], $0x7FE0  }
0x3f: {  	[sflag:s6] =	ssyncset.done @!p2 $0x0  }
0x40: {  	[sflag:s6] =	ssyncadd.s32 @!p2 $0xFFFF8020  }
0x41: {  	[spmem:s21] =	stream.linear.scatter @!p2 [tilespmem:s2], [sflag:$0x2], $0x7FE0, $0x38;
	[tilespmem:$0x10080] =	vst v63  }
0x42: {  	_ =	swait.ge @!p2 [sflag:s6], $0x7FE0  }
0x43: {  	s29 =	sld [smem:$0x7F0];
	_ =	sdelay $0x1  }
0x44: {  	[sflag:s6] =	ssyncset.done @!p2 $0x0  }
0x45: {  	[sflag:s6] =	ssyncadd.s32 @!p2 $0xFFFF8020;
	p2 =	seq.s32 s29, $0x1  }
0x46: {  	s2 =	simm.s32 @!p2 $0x0;
	s6 =	simm.s32 @!p2 $0x2  }
0x47: {  	[tilespmem:s2], [sflag:$0x2] =	stream.linear.gather @!p2 [hbm4b:s5+s2], $0x8000, $0x38;
	[tilespmem:$0x10080] =	vst v63  }
0x48: {  	_ =	swait.ge @!p2 [sflag:s6], $0x8000  }
0x49: {  	[sflag:s6] =	ssyncset.done @!p2 $0x0  }
0x4a: {  	[sflag:s6] =	ssyncadd.s32 @!p2 $0xFFFF8000  }
0x4b: {  	[spmem:s20] =	stream.linear.scatter @!p2 [tilespmem:s2], [sflag:$0x2], $0x8000, $0x38;
	[tilespmem:$0x10080] =	vst v63  }
0x4c: {  	_ =	swait.ge @!p2 [sflag:s6], $0x8000  }
0x4d: {  	s30 =	sld [smem:$0x7F1];
	_ =	sdelay $0x1  }
0x4e: {  	[sflag:s6] =	ssyncset.done @!p2 $0x0  }
0x4f: {  	[sflag:s6] =	ssyncadd.s32 @!p2 $0xFFFF8000;
	p2 =	seq.s32 s30, $0x1  }
0x50: {  	s2 =	simm.s32 @!p2 $0x0;
	s6 =	simm.s32 @!p2 $0x2  }
0x51: {  	[tilespmem:s2], [sflag:$0x2] =	stream.linear.gather @!p2 [hbm4b:s4+s2], $0x8000, $0x38;
	[tilespmem:$0x10080] =	vst v63  }
0x52: {  	_ =	swait.ge @!p2 [sflag:s6], $0x8000  }
0x53: {  	[sflag:s6] =	ssyncset.done @!p2 $0x0  }
0x54: {  	[sflag:s6] =	ssyncadd.s32 @!p2 $0xFFFF8000  }
0x55: {  	[spmem:s1] =	stream.linear.scatter @!p2 [tilespmem:s2], [sflag:$0x2], $0x8000, $0x38;
	[tilespmem:$0x10080] =	vst v63  }
0x56: {  	_ =	swait.ge @!p2 [sflag:s6], $0x8000  }
0x57: {  	s31 =	sld [smem:$0x7F2];
	_ =	sdelay $0x1  }
0x58: {  	[sflag:s6] =	ssyncset.done @!p2 $0x0  }
0x59: {  	[sflag:s6] =	ssyncadd.s32 @!p2 $0xFFFF8000;
	p2 =	seq.s32 s31, $0x1  }
0x5a: {  	s2 =	simm.s32 @!p2 $0x0;
	s6 =	simm.s32 @!p2 $0x2  }
0x5b: {  	[tilespmem:s2], [sflag:$0x2] =	stream.linear.gather @!p2 [hbm4b:s9+s2], $0x8000, $0x38;
	[tilespmem:$0x10080] =	vst v63  }
0x5c: {  	_ =	swait.ge @!p2 [sflag:s6], $0x8000  }
0x5d: {  	[sflag:s6] =	ssyncset.done @!p2 $0x0  }
.Ltmp2:
0x5e: {  	[sflag:s6] =	ssyncadd.s32 @!p2 $0xFFFF8000;
	(pc) =	sbr.rel .LBB2_8-.Ltmp2, $4  }
0x5f: {  	[spmem:s26] =	stream.linear.scatter @!p2 [tilespmem:s2], [sflag:$0x2], $0x8000, $0x38;
	[tilespmem:$0x10080] =	vst v63  }
0x60: {  	_ =	swait.ge @!p2 [sflag:s6], $0x8000  }
0x61: {  	[sflag:s6] =	ssyncset.done @!p2 $0x0  }
0x62: {  	[sflag:s6] =	ssyncadd.s32 @!p2 $0xFFFF8000  }
.LBB2_5:
0x63: {  	s2 =	sld [smem:$0x7FD];
	_ =	sdelay $0x2  }
0x64: {  	p2 =	seq.s32 s2, $0x1  }
.Ltmp3:
0x65: {  	_ = 	snop;
	(pc) =	sbr.rel @p2 .LBB2_7-.Ltmp3, $1  }
0x66: {  	_ =	sdelay $0x3  }
0x67: {  	s2 =	sld [smem:$0x7F7];
	_ =	sdelay $0x2  }
0x68: {  	p2 =	seq.s32 s2, $0x1  }
0x69: {  	s2 =	simm.s32 @!p2 $0x0;
	s6 =	simm.s32 @!p2 $0x2  }
0x6a: {  	[tilespmem:s2], [sflag:$0x2] =	stream.linear.gather @!p2 [hbm4b:s7+s2], $0x7FE0, $0x38;
	[tilespmem:$0x10080] =	vst v63  }
0x6b: {  	_ =	swait.ge @!p2 [sflag:s6], $0x7FE0  }
0x6c: {  	[sflag:s6] =	ssyncset.done @!p2 $0x0  }
0x6d: {  	s8 =	rddreg [dreg:$0x9];
	[sflag:s6] =	ssyncadd.s32 @!p2 $0xFFFF8020  }
0x6e: {  	[spmem:s8] =	stream.linear.scatter @!p2 [tilespmem:s2], [sflag:$0x2], $0x7FE0, $0x38;
	[tilespmem:$0x10080] =	vst v63  }
0x6f: {  	_ =	swait.ge @!p2 [sflag:s6], $0x7FE0  }
0x70: {  	s29 =	sld [smem:$0x7F8];
	_ =	sdelay $0x1  }
0x71: {  	[sflag:s6] =	ssyncset.done @!p2 $0x0  }
0x72: {  	[sflag:s6] =	ssyncadd.s32 @!p2 $0xFFFF8020;
	p2 =	seq.s32 s29, $0x1  }
0x73: {  	s2 =	simm.s32 @!p2 $0x0;
	s6 =	simm.s32 @!p2 $0x2  }
0x74: {  	[tilespmem:s2], [sflag:$0x2] =	stream.linear.gather @!p2 [hbm4b:s5+s2], $0x8000, $0x38;
	[tilespmem:$0x10080] =	vst v63  }
0x75: {  	_ =	swait.ge @!p2 [sflag:s6], $0x8000  }
0x76: {  	[sflag:s6] =	ssyncset.done @!p2 $0x0  }
0x77: {  	s8 =	rddreg [dreg:$0x8];
	[sflag:s6] =	ssyncadd.s32 @!p2 $0xFFFF8000  }
0x78: {  	[spmem:s8] =	stream.linear.scatter @!p2 [tilespmem:s2], [sflag:$0x2], $0x8000, $0x38;
	[tilespmem:$0x10080] =	vst v63  }
0x79: {  	_ =	swait.ge @!p2 [sflag:s6], $0x8000  }
0x7a: {  	s30 =	sld [smem:$0x7F9];
	_ =	sdelay $0x1  }
0x7b: {  	[sflag:s6] =	ssyncset.done @!p2 $0x0  }
0x7c: {  	[sflag:s6] =	ssyncadd.s32 @!p2 $0xFFFF8000;
	p2 =	seq.s32 s30, $0x1  }
0x7d: {  	s2 =	simm.s32 @!p2 $0x0;
	s6 =	simm.s32 @!p2 $0x2  }
0x7e: {  	[tilespmem:s2], [sflag:$0x2] =	stream.linear.gather @!p2 [hbm4b:s4+s2], $0x8000, $0x38;
	[tilespmem:$0x10080] =	vst v63  }
0x7f: {  	_ =	swait.ge @!p2 [sflag:s6], $0x8000  }
0x80: {  	[sflag:s6] =	ssyncset.done @!p2 $0x0  }
0x81: {  	s8 =	rddreg [dreg:$0xb];
	[sflag:s6] =	ssyncadd.s32 @!p2 $0xFFFF8000  }
0x82: {  	[spmem:s8] =	stream.linear.scatter @!p2 [tilespmem:s2], [sflag:$0x2], $0x8000, $0x38;
	[tilespmem:$0x10080] =	vst v63  }
0x83: {  	_ =	swait.ge @!p2 [sflag:s6], $0x8000  }
0x84: {  	s31 =	sld [smem:$0x7FA];
	_ =	sdelay $0x1  }
0x85: {  	[sflag:s6] =	ssyncset.done @!p2 $0x0  }
0x86: {  	[sflag:s6] =	ssyncadd.s32 @!p2 $0xFFFF8000;
	p2 =	seq.s32 s31, $0x1  }
0x87: {  	s2 =	simm.s32 @!p2 $0x0;
	s6 =	simm.s32 @!p2 $0x2  }
0x88: {  	[tilespmem:s2], [sflag:$0x2] =	stream.linear.gather @!p2 [hbm4b:s9+s2], $0x8000, $0x38;
	[tilespmem:$0x10080] =	vst v63  }
0x89: {  	_ =	swait.ge @!p2 [sflag:s6], $0x8000  }
0x8a: {  	[sflag:s6] =	ssyncset.done @!p2 $0x0  }
.Ltmp4:
0x8b: {  	s8 =	rddreg [dreg:$0xa];
	[sflag:s6] =	ssyncadd.s32 @!p2 $0xFFFF8000;
	(pc) =	sbr.rel .LBB2_8-.Ltmp4, $4  }
0x8c: {  	[spmem:s8] =	stream.linear.scatter @!p2 [tilespmem:s2], [sflag:$0x2], $0x8000, $0x38;
	[tilespmem:$0x10080] =	vst v63  }
0x8d: {  	_ =	swait.ge @!p2 [sflag:s6], $0x8000  }
0x8e: {  	[sflag:s6] =	ssyncset.done @!p2 $0x0  }
0x8f: {  	[sflag:s6] =	ssyncadd.s32 @!p2 $0xFFFF8000  }
.LBB2_4:
0x90: {  	s2 =	sld [smem:$0x7F3];
	_ =	sdelay $0x2  }
0x91: {  	p2 =	seq.s32 s2, $0x1  }
0x92: {  	s2 =	simm.s32 @!p2 $0x0;
	s6 =	simm.s32 @!p2 $0x2  }
0x93: {  	[tilespmem:s2], [sflag:$0x2] =	stream.linear.gather @!p2 [hbm4b:s7+s2], $0x7FE0, $0x38;
	[tilespmem:$0x10080] =	vst v63  }
0x94: {  	_ =	swait.ge @!p2 [sflag:s6], $0x7FE0  }
0x95: {  	[sflag:s6] =	ssyncset.done @!p2 $0x0  }
0x96: {  	s8 =	rddreg [dreg:$0xd];
	[sflag:s6] =	ssyncadd.s32 @!p2 $0xFFFF8020  }
0x97: {  	[spmem:s8] =	stream.linear.scatter @!p2 [tilespmem:s2], [sflag:$0x2], $0x7FE0, $0x38;
	[tilespmem:$0x10080] =	vst v63  }
0x98: {  	_ =	swait.ge @!p2 [sflag:s6], $0x7FE0  }
0x99: {  	s29 =	sld [smem:$0x7F4];
	_ =	sdelay $0x1  }
0x9a: {  	[sflag:s6] =	ssyncset.done @!p2 $0x0  }
0x9b: {  	[sflag:s6] =	ssyncadd.s32 @!p2 $0xFFFF8020;
	p2 =	seq.s32 s29, $0x1  }
0x9c: {  	s2 =	simm.s32 @!p2 $0x0;
	s6 =	simm.s32 @!p2 $0x2  }
0x9d: {  	[tilespmem:s2], [sflag:$0x2] =	stream.linear.gather @!p2 [hbm4b:s5+s2], $0x8000, $0x38;
	[tilespmem:$0x10080] =	vst v63  }
0x9e: {  	_ =	swait.ge @!p2 [sflag:s6], $0x8000  }
0x9f: {  	[sflag:s6] =	ssyncset.done @!p2 $0x0  }
0xa0: {  	s8 =	rddreg [dreg:$0xc];
	[sflag:s6] =	ssyncadd.s32 @!p2 $0xFFFF8000  }
0xa1: {  	[spmem:s8] =	stream.linear.scatter @!p2 [tilespmem:s2], [sflag:$0x2], $0x8000, $0x38;
	[tilespmem:$0x10080] =	vst v63  }
0xa2: {  	_ =	swait.ge @!p2 [sflag:s6], $0x8000  }
0xa3: {  	s30 =	sld [smem:$0x7F5];
	_ =	sdelay $0x1  }
0xa4: {  	[sflag:s6] =	ssyncset.done @!p2 $0x0  }
0xa5: {  	[sflag:s6] =	ssyncadd.s32 @!p2 $0xFFFF8000;
	p2 =	seq.s32 s30, $0x1  }
0xa6: {  	s2 =	simm.s32 @!p2 $0x0;
	s6 =	simm.s32 @!p2 $0x2  }
0xa7: {  	[tilespmem:s2], [sflag:$0x2] =	stream.linear.gather @!p2 [hbm4b:s4+s2], $0x8000, $0x38;
	[tilespmem:$0x10080] =	vst v63  }
0xa8: {  	_ =	swait.ge @!p2 [sflag:s6], $0x8000  }
0xa9: {  	[sflag:s6] =	ssyncset.done @!p2 $0x0  }
0xaa: {  	[sflag:s6] =	ssyncadd.s32 @!p2 $0xFFFF8000  }
0xab: {  	[spmem:s19] =	stream.linear.scatter @!p2 [tilespmem:s2], [sflag:$0x2], $0x8000, $0x38;
	[tilespmem:$0x10080] =	vst v63  }
0xac: {  	_ =	swait.ge @!p2 [sflag:s6], $0x8000  }
0xad: {  	s31 =	sld [smem:$0x7F6];
	_ =	sdelay $0x1  }
0xae: {  	[sflag:s6] =	ssyncset.done @!p2 $0x0  }
0xaf: {  	[sflag:s6] =	ssyncadd.s32 @!p2 $0xFFFF8000;
	p2 =	seq.s32 s31, $0x1  }
0xb0: {  	s2 =	simm.s32 @!p2 $0x0;
	s6 =	simm.s32 @!p2 $0x2  }
0xb1: {  	[tilespmem:s2], [sflag:$0x2] =	stream.linear.gather @!p2 [hbm4b:s9+s2], $0x8000, $0x38;
	[tilespmem:$0x10080] =	vst v63  }
0xb2: {  	_ =	swait.ge @!p2 [sflag:s6], $0x8000  }
0xb3: {  	[sflag:s6] =	ssyncset.done @!p2 $0x0  }
.Ltmp5:
0xb4: {  	s8 =	rddreg [dreg:$0xe];
	[sflag:s6] =	ssyncadd.s32 @!p2 $0xFFFF8000;
	(pc) =	sbr.rel .LBB2_8-.Ltmp5, $4  }
0xb5: {  	[spmem:s8] =	stream.linear.scatter @!p2 [tilespmem:s2], [sflag:$0x2], $0x8000, $0x38;
	[tilespmem:$0x10080] =	vst v63  }
0xb6: {  	_ =	swait.ge @!p2 [sflag:s6], $0x8000  }
0xb7: {  	[sflag:s6] =	ssyncset.done @!p2 $0x0  }
0xb8: {  	[sflag:s6] =	ssyncadd.s32 @!p2 $0xFFFF8000  }
.LBB2_7:
0xb9: {  	s2 =	simm.s32 @!p5 $0x0;
	s6 =	simm.s32 @!p5 $0x2  }
0xba: {  	[tilespmem:s2], [sflag:$0x2] =	stream.linear.gather @!p5 [hbm4b:s7+s2], $0x7FE0, $0x38;
	[tilespmem:$0x10080] =	vst v63  }
0xbb: {  	_ =	swait.ge @!p5 [sflag:s6], $0x7FE0  }
0xbc: {  	[sflag:s6] =	ssyncset.done @!p5 $0x0  }
0xbd: {  	s8 =	rddreg [dreg:$0x5];
	[sflag:s6] =	ssyncadd.s32 @!p5 $0xFFFF8020  }
0xbe: {  	[spmem:s8] =	stream.linear.scatter @!p5 [tilespmem:s2], [sflag:$0x2], $0x7FE0, $0x38;
	[tilespmem:$0x10080] =	vst v63  }
0xbf: {  	_ =	swait.ge @!p5 [sflag:s6], $0x7FE0  }
0xc0: {  	[sflag:s6] =	ssyncset.done @!p5 $0x0  }
0xc1: {  	s2 =	simm.s32 @!p6 $0x0;
	[sflag:s6] =	ssyncadd.s32 @!p5 $0xFFFF8020;
	s6 =	simm.s32 @!p6 $0x2  }
0xc2: {  	[tilespmem:s2], [sflag:$0x2] =	stream.linear.gather @!p6 [hbm4b:s5+s2], $0x8000, $0x38;
	[tilespmem:$0x10080] =	vst v63  }
0xc3: {  	_ =	swait.ge @!p6 [sflag:s6], $0x8000  }
0xc4: {  	[sflag:s6] =	ssyncset.done @!p6 $0x0  }
0xc5: {  	s8 =	rddreg [dreg:$0x4];
	[sflag:s6] =	ssyncadd.s32 @!p6 $0xFFFF8000  }
0xc6: {  	[spmem:s8] =	stream.linear.scatter @!p6 [tilespmem:s2], [sflag:$0x2], $0x8000, $0x38;
	[tilespmem:$0x10080] =	vst v63  }
0xc7: {  	_ =	swait.ge @!p6 [sflag:s6], $0x8000  }
0xc8: {  	[sflag:s6] =	ssyncset.done @!p6 $0x0  }
0xc9: {  	s2 =	simm.s32 @!p0 $0x0;
	[sflag:s6] =	ssyncadd.s32 @!p6 $0xFFFF8000;
	s6 =	simm.s32 @!p0 $0x2  }
0xca: {  	[tilespmem:s2], [sflag:$0x2] =	stream.linear.gather @!p0 [hbm4b:s4+s2], $0x8000, $0x38;
	[tilespmem:$0x10080] =	vst v63  }
0xcb: {  	_ =	swait.ge @!p0 [sflag:s6], $0x8000  }
0xcc: {  	[sflag:s6] =	ssyncset.done @!p0 $0x0  }
0xcd: {  	s8 =	rddreg [dreg:$0x7];
	[sflag:s6] =	ssyncadd.s32 @!p0 $0xFFFF8000  }
0xce: {  	[spmem:s8] =	stream.linear.scatter @!p0 [tilespmem:s2], [sflag:$0x2], $0x8000, $0x38;
	[tilespmem:$0x10080] =	vst v63  }
0xcf: {  	_ =	swait.ge @!p0 [sflag:s6], $0x8000  }
0xd0: {  	[sflag:s6] =	ssyncset.done @!p0 $0x0  }
0xd1: {  	s2 =	simm.s32 @!p1 $0x0;
	[sflag:s6] =	ssyncadd.s32 @!p0 $0xFFFF8000;
	s6 =	simm.s32 @!p1 $0x2  }
0xd2: {  	[tilespmem:s2], [sflag:$0x2] =	stream.linear.gather @!p1 [hbm4b:s9+s2], $0x8000, $0x38;
	[tilespmem:$0x10080] =	vst v63  }
0xd3: {  	_ =	swait.ge @!p1 [sflag:s6], $0x8000  }
0xd4: {  	[sflag:s6] =	ssyncset.done @!p1 $0x0  }
0xd5: {  	s8 =	rddreg [dreg:$0x6];
	[sflag:s6] =	ssyncadd.s32 @!p1 $0xFFFF8000  }
0xd6: {  	[spmem:s8] =	stream.linear.scatter @!p1 [tilespmem:s2], [sflag:$0x2], $0x8000, $0x38;
	[tilespmem:$0x10080] =	vst v63  }
0xd7: {  	_ =	swait.ge @!p1 [sflag:s6], $0x8000  }
0xd8: {  	[sflag:s6] =	ssyncset.done @!p1 $0x0  }
0xd9: {  	[sflag:s6] =	ssyncadd.s32 @!p1 $0xFFFF8000  }
.LBB2_8:
0xda: {  	[bflag:$0x0] =	sbarrier.arrive $0xFFFF;
	s29 =	simm.s32 $0x0  }
0xdb: {  	s30 =	smov.u32 s25;
	s31 =	smov.u32 s24;
	s2 =	smov.u32 s10  }
.LBB2_9:
0xdc: {  	s6 =	simm.s32 $0x1  }
0xdd: {  	s6 =	sand.u32 $0x3, s6  }
0xde: {  	s8 =	sadd.s32 s6, s30  }
0xdf: {  	s11 =	sadd.s32 s6, s31;
	s12 =	sshra.s32 s8, $0x1F;
	s13 =	sand.u32 $0x3, s8  }
0xe0: {  	p2 =	slt.s32 s11, $0xFFFFF802;
	s17 =	sshrl.u32 s12, $0x1E;
	p3 =	sne.s32 s13, $0x0  }
0xe1: {  	s6 =	smul.u32 $0x404, s6;
	s8 =	sadd.s32 s17, s8;
	p2 =	por !p2, !p3  }
0xe2: {  	s11 =	simm.s32 $0x1;
	s8 =	sshrl.u32 s8, $0x2;
	p2 =	por !p2, !p2  }
0xe3: {  	s6 =	sadd.s32 s6, s8;
	s11 =	simm.s32 @!p2 $0x0  }
0xe4: {  	s18 =	sshll.u32 s0, $0x6;
	s8 =	simm.s32 $0x2;
	s6 =	ssub.s32 s6, s11  }
0xe5: {  	s11 =	sadd.s32 $0xFFFFFFFF, s31;
	s14 =	sand.u32 $0x3, s8;
	s6 =	sshll.u32 s6, $0x9  }
0xe6: {  	s12 =	sadd.s32 $0xFFFFFFFF, s30;
	s16 =	sadd.s32 s14, s11;
	s6 =	sshra.s32 s6, $0x2  }
0xe7: {  	s13 =	simm.s32 $0x3;
	p3 =	slt.s32 s16, $0xFFFFF802;
	s15 =	sadd.s32 s6, s1  }
0xe8: {  	s6 =	sor.u32 $0x1C01, s18;
	s23 =	sshrl.u32 s15, $0x3;
	s15 =	sadd.s32 s14, s12  }
0xe9: {  	[hbm:s2], [sflag:s6] =	dma.local [spmem:s23], $0x2000  }
0xea: {  	s16 =	sshra.s32 s15, $0x1F;
	s17 =	sand.u32 $0x3, s15;
	s23 =	smov.u32 s2  }
.LBB2_10:
0xeb: {  	p2 =	sne.s32 s13, $0x8;
	s16 =	sshrl.u32 s16, $0x1E  }
0xec: {  	p4 =	sne.s32 s17, $0x0;
	s14 =	smul.u32 $0x404, s14;
	s15 =	sadd.s32 s16, s15  }
0xed: {  	p3 =	por !p3, !p4;
	s15 =	sshrl.u32 s15, $0x2  }
0xee: {  	p3 =	por !p3, !p3;
	s14 =	sadd.s32 s14, s15;
	s15 =	simm.s32 $0x1  }
0xef: {  	s23 =	sadd.s32 $0x2000, s23;
	s15 =	simm.s32 @!p3 $0x0  }
0xf0: {  	s11 =	sadd.s32 $0xFFFFFFFF, s11;
	s8 =	sadd.s32 $0x1, s8;
	s14 =	ssub.s32 s14, s15  }
0xf1: {  	s12 =	sadd.s32 $0xFFFFFFFF, s12;
	s16 =	sand.u32 $0x3, s8;
	s15 =	sshll.u32 s14, $0x9  }
.Ltmp6:
0xf2: {  	s14 =	sand.u32 $0x3, s13;
	s15 =	sshra.s32 s15, $0x2;
	(pc) =	sbr.rel @p2 .LBB2_10-.Ltmp6, $4  }
0xf3: {  	s17 =	sadd.s32 s16, s11;
	s18 =	sadd.s32 s15, s1  }
0xf4: {  	p3 =	slt.s32 s17, $0xFFFFF802;
	s15 =	sadd.s32 s16, s12;
	s16 =	sshrl.u32 s18, $0x3  }
0xf5: {  	[hbm:s23], [sflag:s6] =	dma.local [spmem:s16], $0x2000  }
0xf6: {  	s13 =	sadd.s32 $0x1, s13;
	s17 =	sand.u32 $0x3, s15;
	s16 =	sshra.s32 s15, $0x1F  }
0xf7: {  	s8 =	sshrl.u32 s16, $0x1E;
	p2 =	sne.s32 s17, $0x0  }
0xf8: {  	s11 =	smul.u32 $0x404, s14;
	s8 =	sadd.s32 s8, s15;
	p2 =	por !p3, !p2  }
0xf9: {  	s12 =	simm.s32 $0x1;
	s8 =	sshrl.u32 s8, $0x2;
	p2 =	por !p2, !p2  }
0xfa: {  	s8 =	sadd.s32 s11, s8;
	s12 =	simm.s32 @!p2 $0x0  }
0xfb: {  	s8 =	ssub.s32 s8, s12  }
0xfc: {  	s8 =	sshll.u32 s8, $0x9  }
0xfd: {  	s8 =	sshra.s32 s8, $0x2  }
0xfe: {  	s8 =	sadd.s32 s8, s1  }
0xff: {  	s23 =	sadd.s32 $0x2000, s23;
	s8 =	sshrl.u32 s8, $0x3  }
0x100: {  	[hbm:s23], [sflag:s6] =	dma.local [spmem:s8], $0x2000  }
0x101: {  	_ =	swait.ge [sflag:s28], $0x2000  }
0x102: {  	[sflag:s28] =	ssyncset.done $0x0  }
0x103: {  	[sflag:s28] =	ssyncadd.s32 $0xFFFFE000  }
0x104: {  	_ =	swait.ge [sflag:s28], $0x2000  }
0x105: {  	[sflag:s28] =	ssyncset.done $0x0  }
0x106: {  	[sflag:s28] =	ssyncadd.s32 $0xFFFFE000  }
0x107: {  	_ =	swait.ge [sflag:s28], $0x2000  }
0x108: {  	[sflag:s28] =	ssyncset.done $0x0  }
0x109: {  	[sflag:s28] =	ssyncadd.s32 $0xFFFFE000  }
0x10a: {  	_ =	swait.ge [sflag:s28], $0x2000  }
0x10b: {  	[sflag:s28] =	ssyncset.done $0x0  }
0x10c: {  	[sflag:s28] =	ssyncadd.s32 $0xFFFFE000  }
0x10d: {  	_ =	swait.ge [sflag:s28], $0x2000  }
0x10e: {  	[sflag:s28] =	ssyncset.done $0x0  }
0x10f: {  	[sflag:s28] =	ssyncadd.s32 $0xFFFFE000  }
0x110: {  	_ =	swait.ge [sflag:s28], $0x2000  }
0x111: {  	[sflag:s28] =	ssyncset.done $0x0  }
0x112: {  	s29 =	sadd.s32 $0x1, s29;
	[sflag:s28] =	ssyncadd.s32 $0xFFFFE000  }
0x113: {  	p2 =	sne.s32 s29, $0x8;
	_ =	swait.ge [sflag:s28], $0x2000  }
.Ltmp7:
0x114: {  	[sflag:s28] =	ssyncset.done $0x0;
	(pc) =	sbr.rel @p2 .LBB2_9-.Ltmp7, $4  }
0x115: {  	[sflag:s28] =	ssyncadd.s32 $0xFFFFE000  }
0x116: {  	_ =	swait.ge [sflag:s28], $0x2000  }
0x117: {  	s2 =	sadd.s32 $0x10000, s2;
	[sflag:s28] =	ssyncset.done $0x0  }
0x118: {  	s31 =	sadd.s32 $0xFFFFFFF8, s31;
	s30 =	sadd.s32 $0xFFFFFFF8, s30;
	[sflag:s28] =	ssyncadd.s32 $0xFFFFE000  }
0x119: {  	s3 =	sadd.s32 $0x1, s3  }
0x11a: {  	p2 =	sne.s32 s3, s22  }
.Ltmp8:
0x11b: {  	_ = 	snop;
	(pc) =	sbr.rel @p2 .LBB2_1-.Ltmp8, $1  }
0x11c: {  	_ =	sdelay $0x3  }
0x11d: {  	_ =	sfence.sel $0x180000  }
0x11e: {  	[bflag:$0x0] =	sbarrier.arrive $0xFFFF  }
0x11f: {  	_ =	strace $0x90000047  }
0x120: {  	[bflag:$0x2] =	sbarrier.arrive $0xFFFF  }
0x121: {  	p0 =	sne.s32 s0, $0x0;
	s0 =	rddreg [dreg:$0x3]  }
0x122: {  	s0 =	sadd.s32 @!p0 $0x100000, s0  }
0x123: {  	[sflag:s0] =	ssyncadd.tile.s32 @!p0 $0x1;
	_ =	shalt  }
.Lfunc_end2:
_tile_overlayer_lowered:
.L_overlay_start_2:
0x124: {  	(tag) =	ssettag $0x2  }
0x125: {  	s0 =	rddreg [dreg:$0x0];
	s2 =	stileid.u32  }
0x126: {  	s1 =	rddreg [dreg:$0x1];
	p0 =	sne.s32 s2, $0x0  }
0x127: {  	s3 =	rddreg [dreg:$0x2];
	[bflag:$0x3] =	sbarrier.arrive $0xFFFF;
	s2 =	simm.s32 @!p0 $0x1C02  }
0x128: {  	[timem:s3], [sflag:s2] =	dma.local @!p0 [hbm:s0], s1  }
0x129: {  	s0 =	simm.s32 @!p0 $0x2  }
0x12a: {  	_ =	swait.ge @!p0 [sflag:s0], s1  }
0x12b: {  	s1 =	ssub.s32 @!p0 $0x0, s1;
	[sflag:s0] =	ssyncset.done @!p0 $0x0  }
0x12c: {  	[sflag:s0] =	ssyncadd.s32 @!p0 s1  }
0x12d: {  	[bflag:$0x3] =	sbarrier.arrive $0xFFFF  }
0x12e: {  	_ =	shalt  }

// kernel: sparse-core-data-format-call.cloned.1.call-start
scs
called_computation_lowered:
.L_overlay_start_0:
0x0: {  	s2 =	sld [smem:$0x3FD9]  }
0x1: {  	s3 =	sld [smem:$0x3FFE];
	_ =	sdelay $0x1  }
0x2: {  	s1 =	srdreg.scid  }
0x3: {  	s0 =	sand.u32 $0x1, s1  }
0x4: {  	s18 =	sshll.u32 s0, $0xA;
	s2 =	sadd.s32 s3, s2  }
0x5: {  	s2 =	sadd.s32 s2, s18  }
0x6: {  	[smem:$0x3FC7] =	sst s2  }
0x7: {  	_ = 	snop  }
0x8: {  	s2 =	sld [smem:$0x3FD0];
	(tm) =	ssettm $0x1  }
0x9: {  	s19 =	sld [smem:$0x3FFB];
	_ =	sdelay $0x3  }
0xa: {  	_ =	strace s19  }
0xb: {  	s3 =	sld [smem:$0x3FFC];
	_ =	sdelay $0x3  }
0xc: {  	_ =	strace s3  }
0xd: {  	s3 =	sld [smem:$0x3FFD];
	_ =	sdelay $0x3  }
0xe: {  	_ =	strace s3  }
0xf: {  	_ =	strace $0x8FFFFFFF  }
0x10: {  	s20 =	sld [smem:$0x3FDB];
	_ =	sdelay $0x1  }
0x11: {  	s4 =	simm.s32 $_scs_section_size  }
0x12: {  	s5 =	simm.s32 $_size__tile_overlayer_lowered;
	s6 =	simm.s32 $_tile_overlayer_lowered  }
0x13: {  	s23 =	simm.s32 $0x1BFF;
	s22 =	sshll.u32 s6, $0x1;
	s3 =	sadd.s32 s4, s20  }
0x14: {  	s7 =	simm.s32 $0x0;
	s21 =	sshll.u32 s5, $0x1;
	s5 =	sadd.s32 s22, s3  }
0x15: {  	[timem:s7], [sflag:s23] =	dma.local [hbm:s5], s21  }
0x16: {  	_ =	swait.ge [sflag:s23], s21  }
0x17: {  	s4 =	ssub.s32 $0x0, s21;
	[sflag:s23] =	ssyncset.done $0x0  }
0x18: {  	[sflag:s23] =	ssyncadd.s32 s4;
	_ =	sdelay $0x1  }
0x19: {  	s24 =	simm.s32 $0x1B8B  }
0x1a: {  	_ =	swait.ge [sflag:s24], $0x1  }
0x1b: {  	[sflag:s24] =	ssyncset.done $0x0  }
0x1c: {  	s26 =	simm.s32 $0x1B8E;
	s25 =	sld [smem:$0x3FFE];
	[sflag:s24] =	ssyncadd.s32 $0xFFFFFFFF  }
0x1d: {  	s27 =	simm.s32 $execute0_lowered;
	[smem:$0x3FD2] =	sst s26  }
0x1e: {  	s5 =	sshll.u32 s27, $0x1;
	_ =	strace $0x80000049;
	[dreg:$0x1] =	wrdreg $0xFFFFFFFF  }
0x1f: {  	s28 =	simm.s32 $_size_execute0_lowered;
	s3 =	sadd.s32 s3, s5;
	[dreg:$0x0] =	wrdreg $0x0  }
0x20: {  	s5 =	sshll.u32 s28, $0x1;
	[dreg:$0x2] =	wrdreg s3  }
0x21: {  	[dreg:$0x3] =	wrdreg s5  }
0x22: {  	[dreg:$0x4] =	wrdreg $0xC0  }
0x23: {  	_ =	task [dreg:s7], $0x5FFFF  }
0x24: {  	[dreg:$0x1] =	wrdreg $0xFFFFFFFF  }
0x25: {  	[dreg:$0x0] =	wrdreg $0x60  }
0x26: {  	[dreg:$0x2] =	wrdreg s25  }
0x27: {  	[dreg:$0x3] =	wrdreg s2  }
0x28: {  	[dreg:$0x4] =	wrdreg $0x9  }
0x29: {  	_ =	task.clear_ibuf [dreg:s7], $0x5FFFF;
	_ =	strace $0x90000049  }
0x2a: {  	s29 =	simm.s32 $0x9;
	_ =	strace $0x8000004B  }
0x2b: {  	_ =	swait.ge [sflag:s29], $0x1  }
0x2c: {  	[sflag:s29] =	ssyncadd.s32 $0xFFFFFFFF  }
0x2d: {  	_ =	strace $0x9000004B  }
0x2e: {  	_ =	sfence  }
0x2f: {  	s30 =	sld [smem:$0x0];
	_ =	sdelay $0x2  }
0x30: {  	s31 =	sshll.u32 s1, $0xD;
	s1 =	sshrl.u32 s1, $0x2  }
0x31: {  	s3 =	sand.u32 $0x4000, s31;
	s1 =	sadd.s32 s1, s30  }
0x32: {  	s0 =	sor.u32 s3, s0;
	s1 =	sshll.u32 s1, $0x11  }
0x33: {  	s0 =	sor.u32 s1, s0  }
0x34: {  	s0 =	sadd.s32 $0x8F2B, s0  }
0x35: {  	[sflag:s0] =	ssyncadd.remote.s32 $0x1  }
0x36: {  	_ =	sfence.sel $0xFFFF  }
0x37: {  	[dreg:$0x0] =	wrdreg $0xFFFFFFFF;
	(pc) =	sbr.abs _section_cstart, $3  }
0x38: {  	[dreg:$0x1] =	wrdreg $0xFFFFFFFF  }
0x39: {  	_ =	task.clear_ibuf [dreg:s7], $0x2FFFF;
	_ =	strace $0x9FFFFFFF  }
0x3a: {  	(tm) =	ssettm $0x7FFFFFFF  }
0x3b: {  	_ =	shalt  }
tec
execute0_lowered:
.L_overlay_start_1:
0x0: {  	(tag) =	ssettag $0x1  }
0x1: {  	s0 =	srdreg.scid;
	s9 =	rddreg [dreg:$0x0]  }
0x2: {  	s2 =	rddreg [dreg:$0x1];
	s7 =	simm.s32 $0x1;
	s1 =	sshll.u32 s0, $0x4  }
0x3: {  	s8 =	simm.s32 $0x2;
	s0 =	stileid.u32;
	s1 =	sand.u32 $0x10, s1  }
0x4: {  	s15 =	simm.s32 $0x0;
	s11 =	simm.s32 $0x4000;
	s1 =	sor.u32 s0, s1  }
0x5: {  	s16 =	simm.s32 $0x0;
	s12 =	simm.s32 $0x0;
	s3 =	sshll.u32 s1, $0x2  }
0x6: {  	s14 =	simm.s32 $0x0;
	s4 =	sadd.s32 $0x800, s9;
	s6 =	ssub.s32 $0x800, s3  }
0x7: {  	s1 =	rddreg [dreg:$0x2];
	_ =	strace $0x8000004A;
	s5 =	sand.u32 $0x7C, s6  }
.Ltmp0:
0x8: {  	s13 =	smov.u32 s3;
	p0 =	sne.s32 s5, $0x0;
	(pc) =	sbr.rel .LBB1_1-.Ltmp0, $4  }
0x9: {  	s6 =	sshrl.u32 s6, $0x7;
	s5 =	simm.s32 $0x1;
	s7 =	simm.s32 @!p0 $0x0  }
0xa: {  	[sflag:s5] =	ssyncpa.u1 $0x0;
	p0 =	por $0x0, $0x0;
	s6 =	sadd.s32 s7, s6  }
0xb: {  	[sflag:s8] =	ssyncpa.u1 $0x0;
	s7 =	sadd.s32 $0x8800, s9;
	s6 =	sshll.u32 s6, $0x4  }
0xc: {  	s8 =	sadd.s32 $0x10800, s9;
	s9 =	sadd.s32 $0x18800, s9;
	s10 =	sor.u32 $0x1, s6  }
.LBB1_7:
0xd: {  	s17 =	sadd.s32 $0x80, s12  }
0xe: {  	s15 =	sadd.s32 $0x80, s13;
	s19 =	smov.u32 s13;
	p2 =	sgt.s32 s17, $0x7FF  }
0xf: {  	s19 =	smov.u32 @p2 s15  }
0x10: {  	s17 =	simm.s32 @p2 $0x0;
	p2 =	sgt.s32 s19, $0x7FF  }
0x11: {  	s19 =	smov.u32 @p2 s3;
	p2 =	sne.s32 s14, s10  }
.Ltmp1:
0x12: {  	p1 =	slt.u32 s14, $0x2;
	(pc) =	sbr.rel @!p2 .LBB1_8-.Ltmp1, $4  }
0x13: {  	s18 =	simm.s32 @!p1 $0x2  }
0x14: {  	s16 =	smov.u32 s13;
	p0 =	por !p0, !p0;
	_ =	swait.ge @!p1 [sflag:s18], $0x4000  }
0x15: {  	s15 =	smov.u32 s12;
	[sflag:s18] =	ssyncset.done @!p1 $0x0;
	s12 =	smov.u32 s17  }
0x16: {  	s14 =	sadd.s32 $0x1, s14;
	[sflag:s18] =	ssyncadd.s32 @!p1 $0xFFFFC000;
	s13 =	smov.u32 s19  }
.LBB1_1:
0x17: {  	p1 =	sge.u32 s14, s6  }
0x18: {  	s17 =	sxor.u32 @!p1 $0xFFFFFFFF, s14  }
0x19: {  	s18 =	sshll.u32 @!p1 s13, $0xF;
	s19 =	sshll.u32 @!p1 s12, $0x4;
	s21 =	simm.s32 @!p1 $0x20  }
0x1a: {  	s17 =	sshll.u32 @!p1 s17, $0xE;
	s19 =	sand.u32 @!p1 $0x7FF0, s19;
	s20 =	sadd.s32 @!p1 s4, s18  }
0x1b: {  	s22 =	simm.s32 @!p1 $0x80;
	s17 =	sand.u32 @!p1 $0x4000, s17;
	s20 =	sadd.s32 @!p1 s19, s20  }
0x1c: {  	[tilespmem:s17], [sflag:$0x1] =	stream.strided.gather @!p1 [hbm4b:s20+s21], $0x1000, s22, s21, $0x38;
	[tilespmem:$0x10100] =	vst v63  }
0x1d: {  	s20 =	sadd.s32 @!p1 s18, s7  }
0x1e: {  	s23 =	sor.u32 @!p1 $0x1000, s17;
	s20 =	sadd.s32 @!p1 s19, s20  }
0x1f: {  	[tilespmem:s23], [sflag:$0x1] =	stream.strided.gather @!p1 [hbm4b:s20+s21], $0x1000, s22, s21, $0x38;
	[tilespmem:$0x10100] =	vst v63  }
0x20: {  	s20 =	sadd.s32 @!p1 s18, s8  }
0x21: {  	s23 =	sor.u32 @!p1 $0x2000, s17;
	s18 =	sadd.s32 @!p1 s18, s9;
	s20 =	sadd.s32 @!p1 s19, s20  }
0x22: {  	[tilespmem:s23], [sflag:$0x1] =	stream.strided.gather @!p1 [hbm4b:s20+s21], $0x1000, s22, s21, $0x38;
	[tilespmem:$0x10100] =	vst v63  }
0x23: {  	s31 =	sadd.s32 $0xFFFFFFFF, s14;
	s17 =	sor.u32 @!p1 $0x3000, s17;
	s18 =	sadd.s32 @!p1 s19, s18  }
0x24: {  	[tilespmem:s17], [sflag:$0x1] =	stream.strided.gather @!p1 [hbm4b:s18+s21], $0x1000, s22, s21, $0x38;
	[tilespmem:$0x10100] =	vst v63  }
0x25: {  	p1 =	sge.u32 s31, s6  }
.Ltmp2:
0x26: {  	_ = 	snop;
	(pc) =	sbr.rel @p1 .LBB1_7-.Ltmp2, $1  }
0x27: {  	_ =	sdelay $0x3  }
0x28: {  	s17 =	simm.s32 $0x1;
	s19 =	sand.u32 $0x1, s14  }
0x29: {  	_ =	swait.ge [sflag:s5], $0x4000;
	s17 =	simm.s32 @!p0 $0x0;
	s20 =	smul.u32 $0x10200, s19  }
0x2a: {  	[sflag:s5] =	ssyncset.done $0x0;
	s18 =	smul.u32 $0x10200, s17  }
0x2b: {  	s17 =	sshll.u32 s17, $0xE;
	[sflag:s5] =	ssyncadd.s32 $0xFFFFC000  }
0x2c: {  	s19 =	sor.u32 $0x10, s17;
	s31 =	sshrl.u32 s20, $0x2;
	s18 =	sshrl.u32 s18, $0x2  }
0x2d: {  	s20 =	simm.s32 $0x0;
	s17 =	sor.u32 $0x8000, s31;
	s18 =	sor.u32 $0x8000, s18  }
.LBB1_3:
0x2e: {  	v1 =	vld [tilespmem:s19+$0x0]  }
0x2f: {  	v0 =	vld [tilespmem:s19+$0xFFFFFFF0];
	_ =	sdelay $0x2  }
0x30: {  	s23 =	sadd.s32 $0x0, s18  }
0x31: {  	s21 =	simm.s32 $0x4;
	s22 =	sadd.s32 $0x20, s19;
	[tilespmem:s23+$0x810 ss:$0x81] =	vst.msk $0xffff, v1  }
.LBB1_4:
0x32: {  	v1 =	vld [tilespmem:s22+$0x0];
	p1 =	sne.s32 s21, $0x1FC;
	[tilespmem:s23+$0x0 ss:$0x81] =	vst.msk $0xffff, v0;
	s23 =	smov.u32 s21;
	s21 =	sadd.s32 $0x4, s21  }
.Ltmp3:
0x33: {  	v0 =	vld [tilespmem:s22+$0xFFFFFFF0];
	(pc) =	sbr.rel @p1 .LBB1_4-.Ltmp3, $4  }
0x34: {  	_ = 	snop  }
0x35: {  	s23 =	sshra.s32 s23, $0x2  }
0x36: {  	s23 =	sadd.s32 s23, s18  }
0x37: {  	s22 =	sadd.s32 $0x20, s22;
	[tilespmem:s23+$0x810 ss:$0x81] =	vst.msk $0xffff, v1  }
0x38: {  	s20 =	sadd.s32 $0x1, s20  }
0x39: {  	p1 =	sne.s32 s20, $0x4  }
.Ltmp4:
0x3a: {  	_ = 	snop;
	(pc) =	sbr.rel @p1 .LBB1_3-.Ltmp4, $2  }
0x3b: {  	_ =	sdelay $0x2  }
0x3c: {  	[tilespmem:s23+$0x0 ss:$0x81] =	vst.msk $0xffff, v0;
	s18 =	sadd.s32 $0x1020, s18;
	s19 =	sadd.s32 $0x1000, s19  }
0x3d: {  	s18 =	sshll.u32 s15, $0x3;
	s19 =	sand.u32 $0x78, s15;
	s16 =	sshll.u32 s16, $0xD  }
.Ltmp5:
0x3e: {  	s30 =	sand.u32 $0x1F00, s15;
	s18 =	sand.u32 $0x400, s18;
	(pc) =	sbr.rel .LBB1_7-.Ltmp5, $4  }
0x3f: {  	s31 =	sand.u32 $0x7, s15;
	s16 =	sadd.s32 s2, s16;
	s18 =	sor.u32 s19, s18  }
0x40: {  	s15 =	sshll.u32 s31, $0x12;
	s16 =	sadd.s32 s30, s16;
	s18 =	sshrl.u32 s18, $0x3  }
0x41: {  	s15 =	sor.u32 $0x400, s15;
	s16 =	sadd.s32 s18, s16  }
0x42: {  	[hbm4b:s16+s15] =	stream.strided.scatter [tilespmem:s17], [sflag:$0x2], $0x4000, s11, s15, $0x20;
	[tilespmem:$0x10100] =	vst v63  }
.LBB1_8:
0x43: {  	_ =	sfence.sel $0x180000  }
0x44: {  	s2 =	simm.s32 $0x1;
	[bflag:$0x0] =	sbarrier.arrive $0xFFFF  }
0x45: {  	s31 =	simm.s32 $0x2;
	[sflag:s2] =	ssyncpa.u1 $0x1  }
0x46: {  	[sflag:s31] =	ssyncpa.u1 $0x1  }
0x47: {  	p0 =	sne.s32 s0, $0x0;
	_ =	strace $0x9000004A  }
0x48: {  	s0 =	sadd.s32 @!p0 $0x100000, s1;
	[bflag:$0x2] =	sbarrier.arrive $0xFFFF  }
0x49: {  	[sflag:s0] =	ssyncadd.tile.s32 @!p0 $0x1;
	_ =	shalt  }
.Lfunc_end1:
_tile_overlayer_lowered:
.L_overlay_start_2:
0x4a: {  	(tag) =	ssettag $0x2  }
0x4b: {  	s0 =	rddreg [dreg:$0x0];
	s2 =	stileid.u32  }
0x4c: {  	s1 =	rddreg [dreg:$0x1];
	p0 =	sne.s32 s2, $0x0  }
0x4d: {  	s3 =	rddreg [dreg:$0x2];
	[bflag:$0x3] =	sbarrier.arrive $0xFFFF;
	s2 =	simm.s32 @!p0 $0x1C01  }
0x4e: {  	[timem:s3], [sflag:s2] =	dma.local @!p0 [hbm:s0], s1  }
0x4f: {  	s0 =	simm.s32 @!p0 $0x1  }
0x50: {  	_ =	swait.ge @!p0 [sflag:s0], s1  }
0x51: {  	s1 =	ssub.s32 @!p0 $0x0, s1;
	[sflag:s0] =	ssyncset.done @!p0 $0x0  }
0x52: {  	[sflag:s0] =	ssyncadd.s32 @!p0 s1  }
0x53: {  	[bflag:$0x3] =	sbarrier.arrive $0xFFFF  }
0x54: {  	_ =	shalt  }

</sc_bundles>
